<compile_context>
chip_gen: v7x
topology: tpu7x:2x2x1
jax: 0.10.2.dev20260603
libtpu: 0.0.44.dev20260713+nightly
codegen_flags: <defaults>
</compile_context>

<pallas_src>
import functools

import jax
import jax.numpy as jnp
from jax import lax
from jax.experimental import pallas as pl
from jax.experimental.pallas import tpu as pltpu
from jax.experimental.pallas import tpu_sc as plsc

MAXLEN = 200
EMBED = 64
LANES = 128
CHUNK = 200
SUBG = (128, 72)


def _make_sc_embed(n_rows):
    info = plsc.get_sparse_core_info()
    nw = info.num_cores * info.num_subcores
    per_w = n_rows // nw
    n_chunks = per_w // CHUNK
    mesh = plsc.VectorSubcoreMesh(core_axis_name="c", subcore_axis_name="s")

    @functools.partial(
        pl.kernel,
        mesh=mesh,
        compiler_params=pltpu.CompilerParams(use_tc_tiling_on_sc=True),
        out_type=jax.ShapeDtypeStruct((n_rows, LANES), jnp.float32),
        scratch_types=[
            pltpu.VMEM((per_w,), jnp.int32),
            pltpu.VMEM((CHUNK, LANES), jnp.float32),
            pltpu.VMEM((CHUNK, LANES), jnp.float32),
            pltpu.VMEM((MAXLEN, EMBED), jnp.float32),
            pltpu.SemaphoreType.DMA,
            pltpu.SemaphoreType.DMA,
            pltpu.SemaphoreType.DMA,
            pltpu.SemaphoreType.DMA,
        ],
    )
    def sc_embed(idx_hbm, tab_hbm, pos_hbm, out_hbm,
                 idx_v, rows0, rows1, pos_v, g0, g1, o0, o1):
        wid = lax.axis_index("s") * info.num_cores + lax.axis_index("c")
        wbase = wid * per_w
        rows = (rows0, rows1)
        gsem = (g0, g1)
        osem = (o0, o1)
        pltpu.sync_copy(pos_hbm, pos_v)
        pltpu.sync_copy(idx_hbm.at[pl.ds(wbase, per_w)], idx_v)

        def fire_gathers(g, b):
            off = 0
            for n in SUBG:
                pltpu.async_copy(
                    tab_hbm.at[idx_v.at[pl.ds(g * CHUNK + off, n)]],
                    rows[b].at[pl.ds(off, n)],
                    gsem[b],
                )
                off += n

        def wait_gathers(g, b):
            off = 0
            for n in SUBG:
                pltpu.make_async_copy(
                    tab_hbm.at[idx_v.at[pl.ds(g * CHUNK + off, n)]],
                    rows[b].at[pl.ds(off, n)],
                    gsem[b],
                ).wait()
                off += n

        def wait_writeout(g, b):
            pltpu.make_async_copy(
                rows[b],
                out_hbm.at[pl.ds(wbase + g * CHUNK, CHUNK)],
                osem[b],
            ).wait()

        def add_pos(b):
            @plsc.parallel_loop(0, CHUNK, step=1, unroll=8)
            def _(t):
                for c in range(0, EMBED, 16):
                    rows[b][t, pl.ds(c, 16)] = (
                        rows[b][t, pl.ds(c, 16)] + pos_v[t, pl.ds(c, 16)]
                    )

        def fire_writeout(g, b):
            pltpu.async_copy(
                rows[b],
                out_hbm.at[pl.ds(wbase + g * CHUNK, CHUNK)],
                osem[b],
            )

        def step(g, b, first=False, last=False):
            if not first:
                wait_writeout(g - 1, 1 - b)
            if not last:
                fire_gathers(g + 1, 1 - b)
            wait_gathers(g, b)
            add_pos(b)
            fire_writeout(g, b)

        fire_gathers(0, 0)
        step(0, 0, first=True)

        def outer(i0, carry):
            step(2 * i0 + 1, 1)
            step(2 * i0 + 2, 0)
            return carry

        lax.fori_loop(0, n_chunks // 2 - 1, outer, 0)
        step(n_chunks - 1, 1, last=True)
        wait_writeout(n_chunks - 1, 1)

    return sc_embed


def kernel(out, token_table, pos_table):
    batch, maxlen = out.shape
    idx = out.reshape(-1).astype(jnp.int32)
    tab128 = jnp.pad(token_table, ((0, 0), (0, LANES - EMBED)))
    flat = _make_sc_embed(batch * maxlen)(idx, tab128, pos_table)
    return flat[:, :EMBED].reshape(batch, maxlen, EMBED)

# --- scband reference (transcript-rebuilt; emitter-appended) ---
"""Pipeline reference for scband-pos-embedding-41412074668638 (READ-ONLY COPY).

The authoritative reference and input builder live on the scoring server;
editing this copy changes nothing except your own understanding.
"""

import jax, jax.numpy as jnp
import numpy as np

VOCAB = 1000000
MAXLEN = 200
EMBED = 64
BATCH = 4096

def setup_inputs(seed: int = 0) -> dict:
    key = jax.random.key(seed)
    k1, k2, k3 = jax.random.split(key, 3)
    out = jax.random.randint(k1, (BATCH, MAXLEN), 0, VOCAB, dtype=jnp.int64 if jax.config.jax_enable_x64 else jnp.int32)
    token_table = jax.random.normal(k2, (VOCAB, EMBED), dtype=jnp.float32) * 0.02
    pos_table = jax.random.normal(k3, (MAXLEN, EMBED), dtype=jnp.float32) * 0.02
    return {"out": out, "token_table": token_table, "pos_table": pos_table}

def reference(out, token_table, pos_table):
    maxlen = out.shape[-1]
    positions = jnp.arange(0, maxlen)
    pos_e = jnp.take(pos_table, positions, axis=0)  # [maxlen, embed]
    tok_e = jnp.take(token_table, out, axis=0)      # [batch, maxlen, embed]
    return tok_e + pos_e[None, :, :]

if __name__ == "__main__":
    import jax
    _d = setup_inputs()
    print(jax.jit(kernel)(*tuple(_d.values())))

</pallas_src>

<mosaic_0001>
#map = affine_map<(d0, d1) -> (0)>
#map1 = affine_map<(d0, d1) -> (0, 0)>
module attributes {stable_mosaic.version = 14 : i64} {
  func.func @sc_embed(%arg0: i32, %arg1: i32, %arg2: memref<819200xi32, #tpu.memory_space<hbm>>, %arg3: memref<1000000x128xf32, #tpu.memory_space<hbm>>, %arg4: memref<200x64xf32, #tpu.memory_space<hbm>>, %arg5: memref<819200x128xf32, #tpu.memory_space<hbm>>, %arg6: memref<25600xi32, #tpu.memory_space<vmem>>, %arg7: memref<200x128xf32, #tpu.memory_space<vmem>>, %arg8: memref<200x128xf32, #tpu.memory_space<vmem>>, %arg9: memref<200x64xf32, #tpu.memory_space<vmem>>, %arg10: memref<!tpu.dma_semaphore, #tpu.memory_space<semaphore_mem>>, %arg11: memref<!tpu.dma_semaphore, #tpu.memory_space<semaphore_mem>>, %arg12: memref<!tpu.dma_semaphore, #tpu.memory_space<semaphore_mem>>, %arg13: memref<!tpu.dma_semaphore, #tpu.memory_space<semaphore_mem>>) attributes {dimension_semantics = [#tpu.dimension_semantics<core_parallel>, #tpu.dimension_semantics<subcore_parallel>], iteration_bounds = array<i64: 2, 16>, scalar_prefetch = 0 : i64, scratch_operands = 8 : i64, tpu.core_type = #tpu.core_type<sc_vector_subcore>, window_params = [{transform_indices = #map}, {transform_indices = #map1}, {transform_indices = #map1}, {transform_indices = #map1}]} {
    %mul3A = arith.constant 2 : i32
    %mul3A_0 = arith.muli %arg1, %mul3A : i32
    %add3A = arith.addi %mul3A_0, %arg0 : i32
    %mul3A_1 = arith.constant 25600 : i32
    %mul3A_2 = arith.muli %add3A, %mul3A_1 : i32
    "tpu.region"() ({
      %run_scoped3A = tpu.sem_alloc : memref<!tpu.dma_semaphore, #tpu.memory_space<semaphore_mem>>
      tpu.enqueue_dma source(%arg4 : memref<200x64xf32, #tpu.memory_space<hbm>>) target(%arg9 : memref<200x64xf32, #tpu.memory_space<vmem>>) target_semaphore(%run_scoped3A : memref<!tpu.dma_semaphore, #tpu.memory_space<semaphore_mem>>)
      tpu.wait_dma2 semaphore(%run_scoped3A : memref<!tpu.dma_semaphore, #tpu.memory_space<semaphore_mem>>) src(%arg4 : memref<200x64xf32, #tpu.memory_space<hbm>>) dst(%arg9 : memref<200x64xf32, #tpu.memory_space<vmem>>)
      tpu.yield
    }) : () -> ()
    "tpu.region"() ({
      %run_scoped3A = tpu.sem_alloc : memref<!tpu.dma_semaphore, #tpu.memory_space<semaphore_mem>>
      %dma_start3A_99 = tpu.memref_slice %arg2[%mul3A_2] : memref<819200xi32, #tpu.memory_space<hbm>> -> memref<25600xi32, #tpu.memory_space<hbm>>
      %dma_start3A_100 = tpu.memref_slice %arg2[%mul3A_2] : memref<819200xi32, #tpu.memory_space<hbm>> -> memref<25600xi32, #tpu.memory_space<hbm>>
      tpu.enqueue_dma source(%dma_start3A_100 : memref<25600xi32, #tpu.memory_space<hbm>>) target(%arg6 : memref<25600xi32, #tpu.memory_space<vmem>>) target_semaphore(%run_scoped3A : memref<!tpu.dma_semaphore, #tpu.memory_space<semaphore_mem>>)
      %dma_wait3A_101 = tpu.memref_slice %arg2[%mul3A_2] : memref<819200xi32, #tpu.memory_space<hbm>> -> memref<25600xi32, #tpu.memory_space<hbm>>
      %dma_wait3A_102 = tpu.memref_slice %arg2[%mul3A_2] : memref<819200xi32, #tpu.memory_space<hbm>> -> memref<25600xi32, #tpu.memory_space<hbm>>
      tpu.wait_dma2 semaphore(%run_scoped3A : memref<!tpu.dma_semaphore, #tpu.memory_space<semaphore_mem>>) src(%dma_wait3A_102 : memref<25600xi32, #tpu.memory_space<hbm>>) dst(%arg6 : memref<25600xi32, #tpu.memory_space<vmem>>)
      tpu.yield
    }) : () -> ()
    %dma_start3A = arith.constant 0 : i32
    %dma_start3A_3 = arith.constant 0 : i32
    %dma_start3A_4 = tpu.memref_slice %arg7[%dma_start3A, %dma_start3A_3] : memref<200x128xf32, #tpu.memory_space<vmem>> -> memref<128x128xf32, #tpu.memory_space<vmem>>
    %dma_start3A_5 = arith.constant 0 : i32
    %dma_start3A_6 = tpu.memref_slice %arg6[%dma_start3A_5] : memref<25600xi32, #tpu.memory_space<vmem>> -> memref<128xi32, #tpu.memory_space<vmem>>
    %dma_start3A_7 = arith.constant 0 : i32
    %dma_start3A_8 = arith.constant 0 : i32
    %dma_start3A_9 = tpu.memref_slice %arg3[%dma_start3A_7, %dma_start3A_8] : memref<1000000x128xf32, #tpu.memory_space<hbm>> -> memref<1000000x128xf32, #tpu.memory_space<hbm>>
    tpu.enqueue_indirect_dma source(%dma_start3A_9 : memref<1000000x128xf32, #tpu.memory_space<hbm>>) target(%dma_start3A_4 : memref<128x128xf32, #tpu.memory_space<vmem>>) offsets(%dma_start3A_6 : memref<128xi32, #tpu.memory_space<vmem>>) semaphore(%arg10 : memref<!tpu.dma_semaphore, #tpu.memory_space<semaphore_mem>>)
    %dma_start3A_10 = arith.constant 128 : i32
    %dma_start3A_11 = arith.constant 0 : i32
    %dma_start3A_12 = tpu.memref_slice %arg7[%dma_start3A_10, %dma_start3A_11] : memref<200x128xf32, #tpu.memory_space<vmem>> -> memref<72x128xf32, #tpu.memory_space<vmem>>
    %dma_start3A_13 = arith.constant 128 : i32
    %dma_start3A_14 = tpu.memref_slice %arg6[%dma_start3A_13] : memref<25600xi32, #tpu.memory_space<vmem>> -> memref<72xi32, #tpu.memory_space<vmem>>
    %dma_start3A_15 = arith.constant 0 : i32
    %dma_start3A_16 = arith.constant 0 : i32
    %dma_start3A_17 = tpu.memref_slice %arg3[%dma_start3A_15, %dma_start3A_16] : memref<1000000x128xf32, #tpu.memory_space<hbm>> -> memref<1000000x128xf32, #tpu.memory_space<hbm>>
    tpu.enqueue_indirect_dma source(%dma_start3A_17 : memref<1000000x128xf32, #tpu.memory_space<hbm>>) target(%dma_start3A_12 : memref<72x128xf32, #tpu.memory_space<vmem>>) offsets(%dma_start3A_14 : memref<72xi32, #tpu.memory_space<vmem>>) semaphore(%arg10 : memref<!tpu.dma_semaphore, #tpu.memory_space<semaphore_mem>>)
    %dma_start3A_18 = arith.constant 0 : i32
    %dma_start3A_19 = arith.constant 0 : i32
    %dma_start3A_20 = tpu.memref_slice %arg8[%dma_start3A_18, %dma_start3A_19] : memref<200x128xf32, #tpu.memory_space<vmem>> -> memref<128x128xf32, #tpu.memory_space<vmem>>
    %dma_start3A_21 = arith.constant 200 : i32
    %dma_start3A_22 = tpu.memref_slice %arg6[%dma_start3A_21] : memref<25600xi32, #tpu.memory_space<vmem>> -> memref<128xi32, #tpu.memory_space<vmem>>
    %dma_start3A_23 = arith.constant 0 : i32
    %dma_start3A_24 = arith.constant 0 : i32
    %dma_start3A_25 = tpu.memref_slice %arg3[%dma_start3A_23, %dma_start3A_24] : memref<1000000x128xf32, #tpu.memory_space<hbm>> -> memref<1000000x128xf32, #tpu.memory_space<hbm>>
    tpu.enqueue_indirect_dma source(%dma_start3A_25 : memref<1000000x128xf32, #tpu.memory_space<hbm>>) target(%dma_start3A_20 : memref<128x128xf32, #tpu.memory_space<vmem>>) offsets(%dma_start3A_22 : memref<128xi32, #tpu.memory_space<vmem>>) semaphore(%arg11 : memref<!tpu.dma_semaphore, #tpu.memory_space<semaphore_mem>>)
    %dma_start3A_26 = arith.constant 128 : i32
    %dma_start3A_27 = arith.constant 0 : i32
    %dma_start3A_28 = tpu.memref_slice %arg8[%dma_start3A_26, %dma_start3A_27] : memref<200x128xf32, #tpu.memory_space<vmem>> -> memref<72x128xf32, #tpu.memory_space<vmem>>
    %dma_start3A_29 = arith.constant 328 : i32
    %dma_start3A_30 = tpu.memref_slice %arg6[%dma_start3A_29] : memref<25600xi32, #tpu.memory_space<vmem>> -> memref<72xi32, #tpu.memory_space<vmem>>
    %dma_start3A_31 = arith.constant 0 : i32
    %dma_start3A_32 = arith.constant 0 : i32
    %dma_start3A_33 = tpu.memref_slice %arg3[%dma_start3A_31, %dma_start3A_32] : memref<1000000x128xf32, #tpu.memory_space<hbm>> -> memref<1000000x128xf32, #tpu.memory_space<hbm>>
    tpu.enqueue_indirect_dma source(%dma_start3A_33 : memref<1000000x128xf32, #tpu.memory_space<hbm>>) target(%dma_start3A_28 : memref<72x128xf32, #tpu.memory_space<vmem>>) offsets(%dma_start3A_30 : memref<72xi32, #tpu.memory_space<vmem>>) semaphore(%arg11 : memref<!tpu.dma_semaphore, #tpu.memory_space<semaphore_mem>>)
    %dma_wait3A = arith.constant 0 : i32
    %dma_wait3A_34 = arith.constant 0 : i32
    %dma_wait3A_35 = tpu.memref_slice %arg7[%dma_wait3A, %dma_wait3A_34] : memref<200x128xf32, #tpu.memory_space<vmem>> -> memref<128x128xf32, #tpu.memory_space<vmem>>
    %dma_wait3A_36 = arith.constant 0 : i32
    %dma_wait3A_37 = tpu.memref_slice %arg6[%dma_wait3A_36] : memref<25600xi32, #tpu.memory_space<vmem>> -> memref<128xi32, #tpu.memory_space<vmem>>
    %dma_wait3A_38 = arith.constant 0 : i32
    %dma_wait3A_39 = arith.constant 0 : i32
    %dma_wait3A_40 = tpu.memref_slice %arg3[%dma_wait3A_38, %dma_wait3A_39] : memref<1000000x128xf32, #tpu.memory_space<hbm>> -> memref<1000000x128xf32, #tpu.memory_space<hbm>>
    tpu.wait_indirect_dma semaphore(%arg10 : memref<!tpu.dma_semaphore, #tpu.memory_space<semaphore_mem>>) src(%dma_wait3A_40 : memref<1000000x128xf32, #tpu.memory_space<hbm>>) dst(%dma_wait3A_35 : memref<128x128xf32, #tpu.memory_space<vmem>>)
    %dma_wait3A_41 = arith.constant 128 : i32
    %dma_wait3A_42 = arith.constant 0 : i32
    %dma_wait3A_43 = tpu.memref_slice %arg7[%dma_wait3A_41, %dma_wait3A_42] : memref<200x128xf32, #tpu.memory_space<vmem>> -> memref<72x128xf32, #tpu.memory_space<vmem>>
    %dma_wait3A_44 = arith.constant 128 : i32
    %dma_wait3A_45 = tpu.memref_slice %arg6[%dma_wait3A_44] : memref<25600xi32, #tpu.memory_space<vmem>> -> memref<72xi32, #tpu.memory_space<vmem>>
    %dma_wait3A_46 = arith.constant 0 : i32
    %dma_wait3A_47 = arith.constant 0 : i32
    %dma_wait3A_48 = tpu.memref_slice %arg3[%dma_wait3A_46, %dma_wait3A_47] : memref<1000000x128xf32, #tpu.memory_space<hbm>> -> memref<1000000x128xf32, #tpu.memory_space<hbm>>
    tpu.wait_indirect_dma semaphore(%arg10 : memref<!tpu.dma_semaphore, #tpu.memory_space<semaphore_mem>>) src(%dma_wait3A_48 : memref<1000000x128xf32, #tpu.memory_space<hbm>>) dst(%dma_wait3A_43 : memref<72x128xf32, #tpu.memory_space<vmem>>)
    %parallel_loop3A = arith.constant 0 : i32
    %parallel_loop3A_49 = arith.constant 200 : i32
    %parallel_loop3A_50 = arith.constant 1 : i32
    scf.for %parallel_loop3A_99 = %parallel_loop3A to %parallel_loop3A_49 step %parallel_loop3A_50  : i32 {
      %parallel_loop3A_100 = arith.index_cast %parallel_loop3A_99 : i32 to index
      %parallel_loop3A_101 = arith.constant 0 : index
      %parallel_loop3A_102 = tpu.vector_load %arg7[%parallel_loop3A_100, %parallel_loop3A_101] {strides = array<i32>} : memref<200x128xf32, #tpu.memory_space<vmem>>, vector<1x16xf32>,
      %parallel_loop3A_103 = vector.shape_cast %parallel_loop3A_102 : vector<1x16xf32> to vector<16xf32>
      %parallel_loop3A_104 = arith.index_cast %parallel_loop3A_99 : i32 to index
      %parallel_loop3A_105 = arith.constant 0 : index
      %parallel_loop3A_106 = tpu.vector_load %arg9[%parallel_loop3A_104, %parallel_loop3A_105] {strides = array<i32>} : memref<200x64xf32, #tpu.memory_space<vmem>>, vector<1x16xf32>,
      %parallel_loop3A_107 = vector.shape_cast %parallel_loop3A_106 : vector<1x16xf32> to vector<16xf32>
      %parallel_loop3A_108 = arith.addf %parallel_loop3A_103, %parallel_loop3A_107 : vector<16xf32>
      %parallel_loop3A_109 = arith.index_cast %parallel_loop3A_99 : i32 to index
      %parallel_loop3A_110 = arith.constant 0 : index
      %parallel_loop3A_111 = tpu.vector_load %arg7[%parallel_loop3A_109, %parallel_loop3A_110] {strides = array<i32>} : memref<200x128xf32, #tpu.memory_space<vmem>>, vector<1x16xf32>,
      %parallel_loop3A_112 = vector.shape_cast %parallel_loop3A_111 : vector<1x16xf32> to vector<16xf32>
      %parallel_loop3A_113 = vector.shape_cast %parallel_loop3A_108 : vector<16xf32> to vector<1x16xf32>
      tpu.vector_store %arg7[%parallel_loop3A_109, %parallel_loop3A_110], %parallel_loop3A_113 {strides = array<i32>} : memref<200x128xf32, #tpu.memory_space<vmem>>, vector<1x16xf32>,
      %parallel_loop3A_114 = arith.index_cast %parallel_loop3A_99 : i32 to index
      %parallel_loop3A_115 = arith.constant 16 : index
      %parallel_loop3A_116 = tpu.vector_load %arg7[%parallel_loop3A_114, %parallel_loop3A_115] {strides = array<i32>} : memref<200x128xf32, #tpu.memory_space<vmem>>, vector<1x16xf32>,
      %parallel_loop3A_117 = vector.shape_cast %parallel_loop3A_116 : vector<1x16xf32> to vector<16xf32>
      %parallel_loop3A_118 = arith.index_cast %parallel_loop3A_99 : i32 to index
      %parallel_loop3A_119 = arith.constant 16 : index
      %parallel_loop3A_120 = tpu.vector_load %arg9[%parallel_loop3A_118, %parallel_loop3A_119] {strides = array<i32>} : memref<200x64xf32, #tpu.memory_space<vmem>>, vector<1x16xf32>,
      %parallel_loop3A_121 = vector.shape_cast %parallel_loop3A_120 : vector<1x16xf32> to vector<16xf32>
      %parallel_loop3A_122 = arith.addf %parallel_loop3A_117, %parallel_loop3A_121 : vector<16xf32>
      %parallel_loop3A_123 = arith.index_cast %parallel_loop3A_99 : i32 to index
      %parallel_loop3A_124 = arith.constant 16 : index
      %parallel_loop3A_125 = tpu.vector_load %arg7[%parallel_loop3A_123, %parallel_loop3A_124] {strides = array<i32>} : memref<200x128xf32, #tpu.memory_space<vmem>>, vector<1x16xf32>,
      %parallel_loop3A_126 = vector.shape_cast %parallel_loop3A_125 : vector<1x16xf32> to vector<16xf32>
      %parallel_loop3A_127 = vector.shape_cast %parallel_loop3A_122 : vector<16xf32> to vector<1x16xf32>
      tpu.vector_store %arg7[%parallel_loop3A_123, %parallel_loop3A_124], %parallel_loop3A_127 {strides = array<i32>} : memref<200x128xf32, #tpu.memory_space<vmem>>, vector<1x16xf32>,
      %parallel_loop3A_128 = arith.index_cast %parallel_loop3A_99 : i32 to index
      %parallel_loop3A_129 = arith.constant 32 : index
      %parallel_loop3A_130 = tpu.vector_load %arg7[%parallel_loop3A_128, %parallel_loop3A_129] {strides = array<i32>} : memref<200x128xf32, #tpu.memory_space<vmem>>, vector<1x16xf32>,
      %parallel_loop3A_131 = vector.shape_cast %parallel_loop3A_130 : vector<1x16xf32> to vector<16xf32>
      %parallel_loop3A_132 = arith.index_cast %parallel_loop3A_99 : i32 to index
      %parallel_loop3A_133 = arith.constant 32 : index
      %parallel_loop3A_134 = tpu.vector_load %arg9[%parallel_loop3A_132, %parallel_loop3A_133] {strides = array<i32>} : memref<200x64xf32, #tpu.memory_space<vmem>>, vector<1x16xf32>,
      %parallel_loop3A_135 = vector.shape_cast %parallel_loop3A_134 : vector<1x16xf32> to vector<16xf32>
      %parallel_loop3A_136 = arith.addf %parallel_loop3A_131, %parallel_loop3A_135 : vector<16xf32>
      %parallel_loop3A_137 = arith.index_cast %parallel_loop3A_99 : i32 to index
      %parallel_loop3A_138 = arith.constant 32 : index
      %parallel_loop3A_139 = tpu.vector_load %arg7[%parallel_loop3A_137, %parallel_loop3A_138] {strides = array<i32>} : memref<200x128xf32, #tpu.memory_space<vmem>>, vector<1x16xf32>,
      %parallel_loop3A_140 = vector.shape_cast %parallel_loop3A_139 : vector<1x16xf32> to vector<16xf32>
      %parallel_loop3A_141 = vector.shape_cast %parallel_loop3A_136 : vector<16xf32> to vector<1x16xf32>
      tpu.vector_store %arg7[%parallel_loop3A_137, %parallel_loop3A_138], %parallel_loop3A_141 {strides = array<i32>} : memref<200x128xf32, #tpu.memory_space<vmem>>, vector<1x16xf32>,
      %parallel_loop3A_142 = arith.index_cast %parallel_loop3A_99 : i32 to index
      %parallel_loop3A_143 = arith.constant 48 : index
      %parallel_loop3A_144 = tpu.vector_load %arg7[%parallel_loop3A_142, %parallel_loop3A_143] {strides = array<i32>} : memref<200x128xf32, #tpu.memory_space<vmem>>, vector<1x16xf32>,
      %parallel_loop3A_145 = vector.shape_cast %parallel_loop3A_144 : vector<1x16xf32> to vector<16xf32>
      %parallel_loop3A_146 = arith.index_cast %parallel_loop3A_99 : i32 to index
      %parallel_loop3A_147 = arith.constant 48 : index
      %parallel_loop3A_148 = tpu.vector_load %arg9[%parallel_loop3A_146, %parallel_loop3A_147] {strides = array<i32>} : memref<200x64xf32, #tpu.memory_space<vmem>>, vector<1x16xf32>,
      %parallel_loop3A_149 = vector.shape_cast %parallel_loop3A_148 : vector<1x16xf32> to vector<16xf32>
      %parallel_loop3A_150 = arith.addf %parallel_loop3A_145, %parallel_loop3A_149 : vector<16xf32>
      %parallel_loop3A_151 = arith.index_cast %parallel_loop3A_99 : i32 to index
      %parallel_loop3A_152 = arith.constant 48 : index
      %parallel_loop3A_153 = tpu.vector_load %arg7[%parallel_loop3A_151, %parallel_loop3A_152] {strides = array<i32>} : memref<200x128xf32, #tpu.memory_space<vmem>>, vector<1x16xf32>,
      %parallel_loop3A_154 = vector.shape_cast %parallel_loop3A_153 : vector<1x16xf32> to vector<16xf32>
      %parallel_loop3A_155 = vector.shape_cast %parallel_loop3A_150 : vector<16xf32> to vector<1x16xf32>
      tpu.vector_store %arg7[%parallel_loop3A_151, %parallel_loop3A_152], %parallel_loop3A_155 {strides = array<i32>} : memref<200x128xf32, #tpu.memory_space<vmem>>, vector<1x16xf32>,
    } {sc.loop_unroll_factor = 8 : i64, sc.parallel_access}
    %add3A_51 = arith.constant 0 : i32
    %add3A_52 = arith.addi %mul3A_2, %add3A_51 : i32
    %dma_start3A_53 = arith.constant 0 : i32
    %dma_start3A_54 = tpu.memref_slice %arg5[%add3A_52, %dma_start3A_53] : memref<819200x128xf32, #tpu.memory_space<hbm>> -> memref<200x128xf32, #tpu.memory_space<hbm>>
    %dma_start3A_55 = arith.constant 0 : i32
    %dma_start3A_56 = tpu.memref_slice %arg5[%add3A_52, %dma_start3A_55] : memref<819200x128xf32, #tpu.memory_space<hbm>> -> memref<200x128xf32, #tpu.memory_space<hbm>>
    tpu.enqueue_dma source(%arg7 : memref<200x128xf32, #tpu.memory_space<vmem>>) target(%dma_start3A_56 : memref<200x128xf32, #tpu.memory_space<hbm>>) target_semaphore(%arg12 : memref<!tpu.dma_semaphore, #tpu.memory_space<semaphore_mem>>)
    %scan3A = arith.constant 0 : i32
    %scan3A_57 = arith.constant 0 : i32
    %scan3A_58 = arith.constant 63 : i32
    %scan3A_59 = arith.addi %scan3A_57, %scan3A_58 : i32
    %scan3A_60 = arith.constant 1 : i32
    scf.for %scan3A_99 = %scan3A_57 to %scan3A_59 step %scan3A_60  : i32 {
      %mul3A_100 = arith.constant 2 : i32
      %mul3A_101 = arith.muli %mul3A_100, %scan3A_99 : i32
      %add3A_102 = arith.constant 1 : i32
      %add3A_103 = arith.addi %mul3A_101, %add3A_102 : i32
      %sub3A = arith.constant 1 : i32
      %sub3A_104 = arith.subi %add3A_103, %sub3A : i32
      %mul3A_105 = arith.constant 200 : i32
      %mul3A_106 = arith.muli %sub3A_104, %mul3A_105 : i32
      %add3A_107 = arith.addi %mul3A_2, %mul3A_106 : i32
      %dma_wait3A_108 = arith.constant 0 : i32
      %dma_wait3A_109 = tpu.memref_slice %arg5[%add3A_107, %dma_wait3A_108] : memref<819200x128xf32, #tpu.memory_space<hbm>> -> memref<200x128xf32, #tpu.memory_space<hbm>>
      %dma_wait3A_110 = arith.constant 0 : i32
      %dma_wait3A_111 = tpu.memref_slice %arg5[%add3A_107, %dma_wait3A_110] : memref<819200x128xf32, #tpu.memory_space<hbm>> -> memref<200x128xf32, #tpu.memory_space<hbm>>
      tpu.wait_dma2 semaphore(%arg12 : memref<!tpu.dma_semaphore, #tpu.memory_space<semaphore_mem>>) src(%arg7 : memref<200x128xf32, #tpu.memory_space<vmem>>) dst(%dma_wait3A_111 : memref<200x128xf32, #tpu.memory_space<hbm>>)
      %add3A_112 = arith.constant 1 : i32
      %add3A_113 = arith.addi %add3A_103, %add3A_112 : i32
      %mul3A_114 = arith.constant 200 : i32
      %mul3A_115 = arith.muli %add3A_113, %mul3A_114 : i32
      %add3A_116 = arith.constant 0 : i32
      %add3A_117 = arith.addi %mul3A_115, %add3A_116 : i32
      %dma_start3A_118 = arith.constant 0 : i32
      %dma_start3A_119 = arith.constant 0 : i32
      %dma_start3A_120 = tpu.memref_slice %arg7[%dma_start3A_118, %dma_start3A_119] : memref<200x128xf32, #tpu.memory_space<vmem>> -> memref<128x128xf32, #tpu.memory_space<vmem>>
      %dma_start3A_121 = tpu.memref_slice %arg6[%add3A_117] : memref<25600xi32, #tpu.memory_space<vmem>> -> memref<128xi32, #tpu.memory_space<vmem>>
      %dma_start3A_122 = arith.constant 0 : i32
      %dma_start3A_123 = arith.constant 0 : i32
      %dma_start3A_124 = tpu.memref_slice %arg3[%dma_start3A_122, %dma_start3A_123] : memref<1000000x128xf32, #tpu.memory_space<hbm>> -> memref<1000000x128xf32, #tpu.memory_space<hbm>>
      tpu.enqueue_indirect_dma source(%dma_start3A_124 : memref<1000000x128xf32, #tpu.memory_space<hbm>>) target(%dma_start3A_120 : memref<128x128xf32, #tpu.memory_space<vmem>>) offsets(%dma_start3A_121 : memref<128xi32, #tpu.memory_space<vmem>>) semaphore(%arg10 : memref<!tpu.dma_semaphore, #tpu.memory_space<semaphore_mem>>)
      %mul3A_125 = arith.constant 200 : i32
      %mul3A_126 = arith.muli %add3A_113, %mul3A_125 : i32
      %add3A_127 = arith.constant 128 : i32
      %add3A_128 = arith.addi %mul3A_126, %add3A_127 : i32
      %dma_start3A_129 = arith.constant 128 : i32
      %dma_start3A_130 = arith.constant 0 : i32
      %dma_start3A_131 = tpu.memref_slice %arg7[%dma_start3A_129, %dma_start3A_130] : memref<200x128xf32, #tpu.memory_space<vmem>> -> memref<72x128xf32, #tpu.memory_space<vmem>>
      %dma_start3A_132 = tpu.memref_slice %arg6[%add3A_128] : memref<25600xi32, #tpu.memory_space<vmem>> -> memref<72xi32, #tpu.memory_space<vmem>>
      %dma_start3A_133 = arith.constant 0 : i32
      %dma_start3A_134 = arith.constant 0 : i32
      %dma_start3A_135 = tpu.memref_slice %arg3[%dma_start3A_133, %dma_start3A_134] : memref<1000000x128xf32, #tpu.memory_space<hbm>> -> memref<1000000x128xf32, #tpu.memory_space<hbm>>
      tpu.enqueue_indirect_dma source(%dma_start3A_135 : memref<1000000x128xf32, #tpu.memory_space<hbm>>) target(%dma_start3A_131 : memref<72x128xf32, #tpu.memory_space<vmem>>) offsets(%dma_start3A_132 : memref<72xi32, #tpu.memory_space<vmem>>) semaphore(%arg10 : memref<!tpu.dma_semaphore, #tpu.memory_space<semaphore_mem>>)
      %mul3A_136 = arith.constant 200 : i32
      %mul3A_137 = arith.muli %add3A_103, %mul3A_136 : i32
      %add3A_138 = arith.constant 0 : i32
      %add3A_139 = arith.addi %mul3A_137, %add3A_138 : i32
      %dma_wait3A_140 = arith.constant 0 : i32
      %dma_wait3A_141 = arith.constant 0 : i32
      %dma_wait3A_142 = tpu.memref_slice %arg8[%dma_wait3A_140, %dma_wait3A_141] : memref<200x128xf32, #tpu.memory_space<vmem>> -> memref<128x128xf32, #tpu.memory_space<vmem>>
      %dma_wait3A_143 = tpu.memref_slice %arg6[%add3A_139] : memref<25600xi32, #tpu.memory_space<vmem>> -> memref<128xi32, #tpu.memory_space<vmem>>
      %dma_wait3A_144 = arith.constant 0 : i32
      %dma_wait3A_145 = arith.constant 0 : i32
      %dma_wait3A_146 = tpu.memref_slice %arg3[%dma_wait3A_144, %dma_wait3A_145] : memref<1000000x128xf32, #tpu.memory_space<hbm>> -> memref<1000000x128xf32, #tpu.memory_space<hbm>>
      tpu.wait_indirect_dma semaphore(%arg11 : memref<!tpu.dma_semaphore, #tpu.memory_space<semaphore_mem>>) src(%dma_wait3A_146 : memref<1000000x128xf32, #tpu.memory_space<hbm>>) dst(%dma_wait3A_142 : memref<128x128xf32, #tpu.memory_space<vmem>>)
      %mul3A_147 = arith.constant 200 : i32
      %mul3A_148 = arith.muli %add3A_103, %mul3A_147 : i32
      %add3A_149 = arith.constant 128 : i32
      %add3A_150 = arith.addi %mul3A_148, %add3A_149 : i32
      %dma_wait3A_151 = arith.constant 128 : i32
      %dma_wait3A_152 = arith.constant 0 : i32
      %dma_wait3A_153 = tpu.memref_slice %arg8[%dma_wait3A_151, %dma_wait3A_152] : memref<200x128xf32, #tpu.memory_space<vmem>> -> memref<72x128xf32, #tpu.memory_space<vmem>>
      %dma_wait3A_154 = tpu.memref_slice %arg6[%add3A_150] : memref<25600xi32, #tpu.memory_space<vmem>> -> memref<72xi32, #tpu.memory_space<vmem>>
      %dma_wait3A_155 = arith.constant 0 : i32
      %dma_wait3A_156 = arith.constant 0 : i32
      %dma_wait3A_157 = tpu.memref_slice %arg3[%dma_wait3A_155, %dma_wait3A_156] : memref<1000000x128xf32, #tpu.memory_space<hbm>> -> memref<1000000x128xf32, #tpu.memory_space<hbm>>
      tpu.wait_indirect_dma semaphore(%arg11 : memref<!tpu.dma_semaphore, #tpu.memory_space<semaphore_mem>>) src(%dma_wait3A_157 : memref<1000000x128xf32, #tpu.memory_space<hbm>>) dst(%dma_wait3A_153 : memref<72x128xf32, #tpu.memory_space<vmem>>)
      %parallel_loop3A_158 = arith.constant 0 : i32
      %parallel_loop3A_159 = arith.constant 200 : i32
      %parallel_loop3A_160 = arith.constant 1 : i32
      scf.for %parallel_loop3A_237 = %parallel_loop3A_158 to %parallel_loop3A_159 step %parallel_loop3A_160  : i32 {
        %parallel_loop3A_238 = arith.index_cast %parallel_loop3A_237 : i32 to index
        %parallel_loop3A_239 = arith.constant 0 : index
        %parallel_loop3A_240 = tpu.vector_load %arg8[%parallel_loop3A_238, %parallel_loop3A_239] {strides = array<i32>} : memref<200x128xf32, #tpu.memory_space<vmem>>, vector<1x16xf32>,
        %parallel_loop3A_241 = vector.shape_cast %parallel_loop3A_240 : vector<1x16xf32> to vector<16xf32>
        %parallel_loop3A_242 = arith.index_cast %parallel_loop3A_237 : i32 to index
        %parallel_loop3A_243 = arith.constant 0 : index
        %parallel_loop3A_244 = tpu.vector_load %arg9[%parallel_loop3A_242, %parallel_loop3A_243] {strides = array<i32>} : memref<200x64xf32, #tpu.memory_space<vmem>>, vector<1x16xf32>,
        %parallel_loop3A_245 = vector.shape_cast %parallel_loop3A_244 : vector<1x16xf32> to vector<16xf32>
        %parallel_loop3A_246 = arith.addf %parallel_loop3A_241, %parallel_loop3A_245 : vector<16xf32>
        %parallel_loop3A_247 = arith.index_cast %parallel_loop3A_237 : i32 to index
        %parallel_loop3A_248 = arith.constant 0 : index
        %parallel_loop3A_249 = tpu.vector_load %arg8[%parallel_loop3A_247, %parallel_loop3A_248] {strides = array<i32>} : memref<200x128xf32, #tpu.memory_space<vmem>>, vector<1x16xf32>,
        %parallel_loop3A_250 = vector.shape_cast %parallel_loop3A_249 : vector<1x16xf32> to vector<16xf32>
        %parallel_loop3A_251 = vector.shape_cast %parallel_loop3A_246 : vector<16xf32> to vector<1x16xf32>
        tpu.vector_store %arg8[%parallel_loop3A_247, %parallel_loop3A_248], %parallel_loop3A_251 {strides = array<i32>} : memref<200x128xf32, #tpu.memory_space<vmem>>, vector<1x16xf32>,
        %parallel_loop3A_252 = arith.index_cast %parallel_loop3A_237 : i32 to index
        %parallel_loop3A_253 = arith.constant 16 : index
        %parallel_loop3A_254 = tpu.vector_load %arg8[%parallel_loop3A_252, %parallel_loop3A_253] {strides = array<i32>} : memref<200x128xf32, #tpu.memory_space<vmem>>, vector<1x16xf32>,
        %parallel_loop3A_255 = vector.shape_cast %parallel_loop3A_254 : vector<1x16xf32> to vector<16xf32>
        %parallel_loop3A_256 = arith.index_cast %parallel_loop3A_237 : i32 to index
        %parallel_loop3A_257 = arith.constant 16 : index
        %parallel_loop3A_258 = tpu.vector_load %arg9[%parallel_loop3A_256, %parallel_loop3A_257] {strides = array<i32>} : memref<200x64xf32, #tpu.memory_space<vmem>>, vector<1x16xf32>,
        %parallel_loop3A_259 = vector.shape_cast %parallel_loop3A_258 : vector<1x16xf32> to vector<16xf32>
        %parallel_loop3A_260 = arith.addf %parallel_loop3A_255, %parallel_loop3A_259 : vector<16xf32>
        %parallel_loop3A_261 = arith.index_cast %parallel_loop3A_237 : i32 to index
        %parallel_loop3A_262 = arith.constant 16 : index
        %parallel_loop3A_263 = tpu.vector_load %arg8[%parallel_loop3A_261, %parallel_loop3A_262] {strides = array<i32>} : memref<200x128xf32, #tpu.memory_space<vmem>>, vector<1x16xf32>,
        %parallel_loop3A_264 = vector.shape_cast %parallel_loop3A_263 : vector<1x16xf32> to vector<16xf32>
        %parallel_loop3A_265 = vector.shape_cast %parallel_loop3A_260 : vector<16xf32> to vector<1x16xf32>
        tpu.vector_store %arg8[%parallel_loop3A_261, %parallel_loop3A_262], %parallel_loop3A_265 {strides = array<i32>} : memref<200x128xf32, #tpu.memory_space<vmem>>, vector<1x16xf32>,
        %parallel_loop3A_266 = arith.index_cast %parallel_loop3A_237 : i32 to index
        %parallel_loop3A_267 = arith.constant 32 : index
        %parallel_loop3A_268 = tpu.vector_load %arg8[%parallel_loop3A_266, %parallel_loop3A_267] {strides = array<i32>} : memref<200x128xf32, #tpu.memory_space<vmem>>, vector<1x16xf32>,
        %parallel_loop3A_269 = vector.shape_cast %parallel_loop3A_268 : vector<1x16xf32> to vector<16xf32>
        %parallel_loop3A_270 = arith.index_cast %parallel_loop3A_237 : i32 to index
        %parallel_loop3A_271 = arith.constant 32 : index
        %parallel_loop3A_272 = tpu.vector_load %arg9[%parallel_loop3A_270, %parallel_loop3A_271] {strides = array<i32>} : memref<200x64xf32, #tpu.memory_space<vmem>>, vector<1x16xf32>,
        %parallel_loop3A_273 = vector.shape_cast %parallel_loop3A_272 : vector<1x16xf32> to vector<16xf32>
        %parallel_loop3A_274 = arith.addf %parallel_loop3A_269, %parallel_loop3A_273 : vector<16xf32>
        %parallel_loop3A_275 = arith.index_cast %parallel_loop3A_237 : i32 to index
        %parallel_loop3A_276 = arith.constant 32 : index
        %parallel_loop3A_277 = tpu.vector_load %arg8[%parallel_loop3A_275, %parallel_loop3A_276] {strides = array<i32>} : memref<200x128xf32, #tpu.memory_space<vmem>>, vector<1x16xf32>,
        %parallel_loop3A_278 = vector.shape_cast %parallel_loop3A_277 : vector<1x16xf32> to vector<16xf32>
        %parallel_loop3A_279 = vector.shape_cast %parallel_loop3A_274 : vector<16xf32> to vector<1x16xf32>
        tpu.vector_store %arg8[%parallel_loop3A_275, %parallel_loop3A_276], %parallel_loop3A_279 {strides = array<i32>} : memref<200x128xf32, #tpu.memory_space<vmem>>, vector<1x16xf32>,
        %parallel_loop3A_280 = arith.index_cast %parallel_loop3A_237 : i32 to index
        %parallel_loop3A_281 = arith.constant 48 : index
        %parallel_loop3A_282 = tpu.vector_load %arg8[%parallel_loop3A_280, %parallel_loop3A_281] {strides = array<i32>} : memref<200x128xf32, #tpu.memory_space<vmem>>, vector<1x16xf32>,
        %parallel_loop3A_283 = vector.shape_cast %parallel_loop3A_282 : vector<1x16xf32> to vector<16xf32>
        %parallel_loop3A_284 = arith.index_cast %parallel_loop3A_237 : i32 to index
        %parallel_loop3A_285 = arith.constant 48 : index
        %parallel_loop3A_286 = tpu.vector_load %arg9[%parallel_loop3A_284, %parallel_loop3A_285] {strides = array<i32>} : memref<200x64xf32, #tpu.memory_space<vmem>>, vector<1x16xf32>,
        %parallel_loop3A_287 = vector.shape_cast %parallel_loop3A_286 : vector<1x16xf32> to vector<16xf32>
        %parallel_loop3A_288 = arith.addf %parallel_loop3A_283, %parallel_loop3A_287 : vector<16xf32>
        %parallel_loop3A_289 = arith.index_cast %parallel_loop3A_237 : i32 to index
        %parallel_loop3A_290 = arith.constant 48 : index
        %parallel_loop3A_291 = tpu.vector_load %arg8[%parallel_loop3A_289, %parallel_loop3A_290] {strides = array<i32>} : memref<200x128xf32, #tpu.memory_space<vmem>>, vector<1x16xf32>,
        %parallel_loop3A_292 = vector.shape_cast %parallel_loop3A_291 : vector<1x16xf32> to vector<16xf32>
        %parallel_loop3A_293 = vector.shape_cast %parallel_loop3A_288 : vector<16xf32> to vector<1x16xf32>
        tpu.vector_store %arg8[%parallel_loop3A_289, %parallel_loop3A_290], %parallel_loop3A_293 {strides = array<i32>} : memref<200x128xf32, #tpu.memory_space<vmem>>, vector<1x16xf32>,
      } {sc.loop_unroll_factor = 8 : i64, sc.parallel_access}
      %mul3A_161 = arith.constant 200 : i32
      %mul3A_162 = arith.muli %add3A_103, %mul3A_161 : i32
      %add3A_163 = arith.addi %mul3A_2, %mul3A_162 : i32
      %dma_start3A_164 = arith.constant 0 : i32
      %dma_start3A_165 = tpu.memref_slice %arg5[%add3A_163, %dma_start3A_164] : memref<819200x128xf32, #tpu.memory_space<hbm>> -> memref<200x128xf32, #tpu.memory_space<hbm>>
      %dma_start3A_166 = arith.constant 0 : i32
      %dma_start3A_167 = tpu.memref_slice %arg5[%add3A_163, %dma_start3A_166] : memref<819200x128xf32, #tpu.memory_space<hbm>> -> memref<200x128xf32, #tpu.memory_space<hbm>>
      tpu.enqueue_dma source(%arg8 : memref<200x128xf32, #tpu.memory_space<vmem>>) target(%dma_start3A_167 : memref<200x128xf32, #tpu.memory_space<hbm>>) target_semaphore(%arg13 : memref<!tpu.dma_semaphore, #tpu.memory_space<semaphore_mem>>)
      %mul3A_168 = arith.constant 2 : i32
      %mul3A_169 = arith.muli %mul3A_168, %scan3A_99 : i32
      %add3A_170 = arith.constant 2 : i32
      %add3A_171 = arith.addi %mul3A_169, %add3A_170 : i32
      %sub3A_172 = arith.constant 1 : i32
      %sub3A_173 = arith.subi %add3A_171, %sub3A_172 : i32
      %mul3A_174 = arith.constant 200 : i32
      %mul3A_175 = arith.muli %sub3A_173, %mul3A_174 : i32
      %add3A_176 = arith.addi %mul3A_2, %mul3A_175 : i32
      %dma_wait3A_177 = arith.constant 0 : i32
      %dma_wait3A_178 = tpu.memref_slice %arg5[%add3A_176, %dma_wait3A_177] : memref<819200x128xf32, #tpu.memory_space<hbm>> -> memref<200x128xf32, #tpu.memory_space<hbm>>
      %dma_wait3A_179 = arith.constant 0 : i32
      %dma_wait3A_180 = tpu.memref_slice %arg5[%add3A_176, %dma_wait3A_179] : memref<819200x128xf32, #tpu.memory_space<hbm>> -> memref<200x128xf32, #tpu.memory_space<hbm>>
      tpu.wait_dma2 semaphore(%arg13 : memref<!tpu.dma_semaphore, #tpu.memory_space<semaphore_mem>>) src(%arg8 : memref<200x128xf32, #tpu.memory_space<vmem>>) dst(%dma_wait3A_180 : memref<200x128xf32, #tpu.memory_space<hbm>>)
      %add3A_181 = arith.constant 1 : i32
      %add3A_182 = arith.addi %add3A_171, %add3A_181 : i32
      %mul3A_183 = arith.constant 200 : i32
      %mul3A_184 = arith.muli %add3A_182, %mul3A_183 : i32
      %add3A_185 = arith.constant 0 : i32
      %add3A_186 = arith.addi %mul3A_184, %add3A_185 : i32
      %dma_start3A_187 = arith.constant 0 : i32
      %dma_start3A_188 = arith.constant 0 : i32
      %dma_start3A_189 = tpu.memref_slice %arg8[%dma_start3A_187, %dma_start3A_188] : memref<200x128xf32, #tpu.memory_space<vmem>> -> memref<128x128xf32, #tpu.memory_space<vmem>>
      %dma_start3A_190 = tpu.memref_slice %arg6[%add3A_186] : memref<25600xi32, #tpu.memory_space<vmem>> -> memref<128xi32, #tpu.memory_space<vmem>>
      %dma_start3A_191 = arith.constant 0 : i32
      %dma_start3A_192 = arith.constant 0 : i32
      %dma_start3A_193 = tpu.memref_slice %arg3[%dma_start3A_191, %dma_start3A_192] : memref<1000000x128xf32, #tpu.memory_space<hbm>> -> memref<1000000x128xf32, #tpu.memory_space<hbm>>
      tpu.enqueue_indirect_dma source(%dma_start3A_193 : memref<1000000x128xf32, #tpu.memory_space<hbm>>) target(%dma_start3A_189 : memref<128x128xf32, #tpu.memory_space<vmem>>) offsets(%dma_start3A_190 : memref<128xi32, #tpu.memory_space<vmem>>) semaphore(%arg11 : memref<!tpu.dma_semaphore, #tpu.memory_space<semaphore_mem>>)
      %mul3A_194 = arith.constant 200 : i32
      %mul3A_195 = arith.muli %add3A_182, %mul3A_194 : i32
      %add3A_196 = arith.constant 128 : i32
      %add3A_197 = arith.addi %mul3A_195, %add3A_196 : i32
      %dma_start3A_198 = arith.constant 128 : i32
      %dma_start3A_199 = arith.constant 0 : i32
      %dma_start3A_200 = tpu.memref_slice %arg8[%dma_start3A_198, %dma_start3A_199] : memref<200x128xf32, #tpu.memory_space<vmem>> -> memref<72x128xf32, #tpu.memory_space<vmem>>
      %dma_start3A_201 = tpu.memref_slice %arg6[%add3A_197] : memref<25600xi32, #tpu.memory_space<vmem>> -> memref<72xi32, #tpu.memory_space<vmem>>
      %dma_start3A_202 = arith.constant 0 : i32
      %dma_start3A_203 = arith.constant 0 : i32
      %dma_start3A_204 = tpu.memref_slice %arg3[%dma_start3A_202, %dma_start3A_203] : memref<1000000x128xf32, #tpu.memory_space<hbm>> -> memref<1000000x128xf32, #tpu.memory_space<hbm>>
      tpu.enqueue_indirect_dma source(%dma_start3A_204 : memref<1000000x128xf32, #tpu.memory_space<hbm>>) target(%dma_start3A_200 : memref<72x128xf32, #tpu.memory_space<vmem>>) offsets(%dma_start3A_201 : memref<72xi32, #tpu.memory_space<vmem>>) semaphore(%arg11 : memref<!tpu.dma_semaphore, #tpu.memory_space<semaphore_mem>>)
      %mul3A_205 = arith.constant 200 : i32
      %mul3A_206 = arith.muli %add3A_171, %mul3A_205 : i32
      %add3A_207 = arith.constant 0 : i32
      %add3A_208 = arith.addi %mul3A_206, %add3A_207 : i32
      %dma_wait3A_209 = arith.constant 0 : i32
      %dma_wait3A_210 = arith.constant 0 : i32
      %dma_wait3A_211 = tpu.memref_slice %arg7[%dma_wait3A_209, %dma_wait3A_210] : memref<200x128xf32, #tpu.memory_space<vmem>> -> memref<128x128xf32, #tpu.memory_space<vmem>>
      %dma_wait3A_212 = tpu.memref_slice %arg6[%add3A_208] : memref<25600xi32, #tpu.memory_space<vmem>> -> memref<128xi32, #tpu.memory_space<vmem>>
      %dma_wait3A_213 = arith.constant 0 : i32
      %dma_wait3A_214 = arith.constant 0 : i32
      %dma_wait3A_215 = tpu.memref_slice %arg3[%dma_wait3A_213, %dma_wait3A_214] : memref<1000000x128xf32, #tpu.memory_space<hbm>> -> memref<1000000x128xf32, #tpu.memory_space<hbm>>
      tpu.wait_indirect_dma semaphore(%arg10 : memref<!tpu.dma_semaphore, #tpu.memory_space<semaphore_mem>>) src(%dma_wait3A_215 : memref<1000000x128xf32, #tpu.memory_space<hbm>>) dst(%dma_wait3A_211 : memref<128x128xf32, #tpu.memory_space<vmem>>)
      %mul3A_216 = arith.constant 200 : i32
      %mul3A_217 = arith.muli %add3A_171, %mul3A_216 : i32
      %add3A_218 = arith.constant 128 : i32
      %add3A_219 = arith.addi %mul3A_217, %add3A_218 : i32
      %dma_wait3A_220 = arith.constant 128 : i32
      %dma_wait3A_221 = arith.constant 0 : i32
      %dma_wait3A_222 = tpu.memref_slice %arg7[%dma_wait3A_220, %dma_wait3A_221] : memref<200x128xf32, #tpu.memory_space<vmem>> -> memref<72x128xf32, #tpu.memory_space<vmem>>
      %dma_wait3A_223 = tpu.memref_slice %arg6[%add3A_219] : memref<25600xi32, #tpu.memory_space<vmem>> -> memref<72xi32, #tpu.memory_space<vmem>>
      %dma_wait3A_224 = arith.constant 0 : i32
      %dma_wait3A_225 = arith.constant 0 : i32
      %dma_wait3A_226 = tpu.memref_slice %arg3[%dma_wait3A_224, %dma_wait3A_225] : memref<1000000x128xf32, #tpu.memory_space<hbm>> -> memref<1000000x128xf32, #tpu.memory_space<hbm>>
      tpu.wait_indirect_dma semaphore(%arg10 : memref<!tpu.dma_semaphore, #tpu.memory_space<semaphore_mem>>) src(%dma_wait3A_226 : memref<1000000x128xf32, #tpu.memory_space<hbm>>) dst(%dma_wait3A_222 : memref<72x128xf32, #tpu.memory_space<vmem>>)
      %parallel_loop3A_227 = arith.constant 0 : i32
      %parallel_loop3A_228 = arith.constant 200 : i32
      %parallel_loop3A_229 = arith.constant 1 : i32
      scf.for %parallel_loop3A_237 = %parallel_loop3A_227 to %parallel_loop3A_228 step %parallel_loop3A_229  : i32 {
        %parallel_loop3A_238 = arith.index_cast %parallel_loop3A_237 : i32 to index
        %parallel_loop3A_239 = arith.constant 0 : index
        %parallel_loop3A_240 = tpu.vector_load %arg7[%parallel_loop3A_238, %parallel_loop3A_239] {strides = array<i32>} : memref<200x128xf32, #tpu.memory_space<vmem>>, vector<1x16xf32>,
        %parallel_loop3A_241 = vector.shape_cast %parallel_loop3A_240 : vector<1x16xf32> to vector<16xf32>
        %parallel_loop3A_242 = arith.index_cast %parallel_loop3A_237 : i32 to index
        %parallel_loop3A_243 = arith.constant 0 : index
        %parallel_loop3A_244 = tpu.vector_load %arg9[%parallel_loop3A_242, %parallel_loop3A_243] {strides = array<i32>} : memref<200x64xf32, #tpu.memory_space<vmem>>, vector<1x16xf32>,
        %parallel_loop3A_245 = vector.shape_cast %parallel_loop3A_244 : vector<1x16xf32> to vector<16xf32>
        %parallel_loop3A_246 = arith.addf %parallel_loop3A_241, %parallel_loop3A_245 : vector<16xf32>
        %parallel_loop3A_247 = arith.index_cast %parallel_loop3A_237 : i32 to index
        %parallel_loop3A_248 = arith.constant 0 : index
        %parallel_loop3A_249 = tpu.vector_load %arg7[%parallel_loop3A_247, %parallel_loop3A_248] {strides = array<i32>} : memref<200x128xf32, #tpu.memory_space<vmem>>, vector<1x16xf32>,
        %parallel_loop3A_250 = vector.shape_cast %parallel_loop3A_249 : vector<1x16xf32> to vector<16xf32>
        %parallel_loop3A_251 = vector.shape_cast %parallel_loop3A_246 : vector<16xf32> to vector<1x16xf32>
        tpu.vector_store %arg7[%parallel_loop3A_247, %parallel_loop3A_248], %parallel_loop3A_251 {strides = array<i32>} : memref<200x128xf32, #tpu.memory_space<vmem>>, vector<1x16xf32>,
        %parallel_loop3A_252 = arith.index_cast %parallel_loop3A_237 : i32 to index
        %parallel_loop3A_253 = arith.constant 16 : index
        %parallel_loop3A_254 = tpu.vector_load %arg7[%parallel_loop3A_252, %parallel_loop3A_253] {strides = array<i32>} : memref<200x128xf32, #tpu.memory_space<vmem>>, vector<1x16xf32>,
        %parallel_loop3A_255 = vector.shape_cast %parallel_loop3A_254 : vector<1x16xf32> to vector<16xf32>
        %parallel_loop3A_256 = arith.index_cast %parallel_loop3A_237 : i32 to index
        %parallel_loop3A_257 = arith.constant 16 : index
        %parallel_loop3A_258 = tpu.vector_load %arg9[%parallel_loop3A_256, %parallel_loop3A_257] {strides = array<i32>} : memref<200x64xf32, #tpu.memory_space<vmem>>, vector<1x16xf32>,
        %parallel_loop3A_259 = vector.shape_cast %parallel_loop3A_258 : vector<1x16xf32> to vector<16xf32>
        %parallel_loop3A_260 = arith.addf %parallel_loop3A_255, %parallel_loop3A_259 : vector<16xf32>
        %parallel_loop3A_261 = arith.index_cast %parallel_loop3A_237 : i32 to index
        %parallel_loop3A_262 = arith.constant 16 : index
        %parallel_loop3A_263 = tpu.vector_load %arg7[%parallel_loop3A_261, %parallel_loop3A_262] {strides = array<i32>} : memref<200x128xf32, #tpu.memory_space<vmem>>, vector<1x16xf32>,
        %parallel_loop3A_264 = vector.shape_cast %parallel_loop3A_263 : vector<1x16xf32> to vector<16xf32>
        %parallel_loop3A_265 = vector.shape_cast %parallel_loop3A_260 : vector<16xf32> to vector<1x16xf32>
        tpu.vector_store %arg7[%parallel_loop3A_261, %parallel_loop3A_262], %parallel_loop3A_265 {strides = array<i32>} : memref<200x128xf32, #tpu.memory_space<vmem>>, vector<1x16xf32>,
        %parallel_loop3A_266 = arith.index_cast %parallel_loop3A_237 : i32 to index
        %parallel_loop3A_267 = arith.constant 32 : index
        %parallel_loop3A_268 = tpu.vector_load %arg7[%parallel_loop3A_266, %parallel_loop3A_267] {strides = array<i32>} : memref<200x128xf32, #tpu.memory_space<vmem>>, vector<1x16xf32>,
        %parallel_loop3A_269 = vector.shape_cast %parallel_loop3A_268 : vector<1x16xf32> to vector<16xf32>
        %parallel_loop3A_270 = arith.index_cast %parallel_loop3A_237 : i32 to index
        %parallel_loop3A_271 = arith.constant 32 : index
        %parallel_loop3A_272 = tpu.vector_load %arg9[%parallel_loop3A_270, %parallel_loop3A_271] {strides = array<i32>} : memref<200x64xf32, #tpu.memory_space<vmem>>, vector<1x16xf32>,
        %parallel_loop3A_273 = vector.shape_cast %parallel_loop3A_272 : vector<1x16xf32> to vector<16xf32>
        %parallel_loop3A_274 = arith.addf %parallel_loop3A_269, %parallel_loop3A_273 : vector<16xf32>
        %parallel_loop3A_275 = arith.index_cast %parallel_loop3A_237 : i32 to index
        %parallel_loop3A_276 = arith.constant 32 : index
        %parallel_loop3A_277 = tpu.vector_load %arg7[%parallel_loop3A_275, %parallel_loop3A_276] {strides = array<i32>} : memref<200x128xf32, #tpu.memory_space<vmem>>, vector<1x16xf32>,
        %parallel_loop3A_278 = vector.shape_cast %parallel_loop3A_277 : vector<1x16xf32> to vector<16xf32>
        %parallel_loop3A_279 = vector.shape_cast %parallel_loop3A_274 : vector<16xf32> to vector<1x16xf32>
        tpu.vector_store %arg7[%parallel_loop3A_275, %parallel_loop3A_276], %parallel_loop3A_279 {strides = array<i32>} : memref<200x128xf32, #tpu.memory_space<vmem>>, vector<1x16xf32>,
        %parallel_loop3A_280 = arith.index_cast %parallel_loop3A_237 : i32 to index
        %parallel_loop3A_281 = arith.constant 48 : index
        %parallel_loop3A_282 = tpu.vector_load %arg7[%parallel_loop3A_280, %parallel_loop3A_281] {strides = array<i32>} : memref<200x128xf32, #tpu.memory_space<vmem>>, vector<1x16xf32>,
        %parallel_loop3A_283 = vector.shape_cast %parallel_loop3A_282 : vector<1x16xf32> to vector<16xf32>
        %parallel_loop3A_284 = arith.index_cast %parallel_loop3A_237 : i32 to index
        %parallel_loop3A_285 = arith.constant 48 : index
        %parallel_loop3A_286 = tpu.vector_load %arg9[%parallel_loop3A_284, %parallel_loop3A_285] {strides = array<i32>} : memref<200x64xf32, #tpu.memory_space<vmem>>, vector<1x16xf32>,
        %parallel_loop3A_287 = vector.shape_cast %parallel_loop3A_286 : vector<1x16xf32> to vector<16xf32>
        %parallel_loop3A_288 = arith.addf %parallel_loop3A_283, %parallel_loop3A_287 : vector<16xf32>
        %parallel_loop3A_289 = arith.index_cast %parallel_loop3A_237 : i32 to index
        %parallel_loop3A_290 = arith.constant 48 : index
        %parallel_loop3A_291 = tpu.vector_load %arg7[%parallel_loop3A_289, %parallel_loop3A_290] {strides = array<i32>} : memref<200x128xf32, #tpu.memory_space<vmem>>, vector<1x16xf32>,
        %parallel_loop3A_292 = vector.shape_cast %parallel_loop3A_291 : vector<1x16xf32> to vector<16xf32>
        %parallel_loop3A_293 = vector.shape_cast %parallel_loop3A_288 : vector<16xf32> to vector<1x16xf32>
        tpu.vector_store %arg7[%parallel_loop3A_289, %parallel_loop3A_290], %parallel_loop3A_293 {strides = array<i32>} : memref<200x128xf32, #tpu.memory_space<vmem>>, vector<1x16xf32>,
      } {sc.loop_unroll_factor = 8 : i64, sc.parallel_access}
      %mul3A_230 = arith.constant 200 : i32
      %mul3A_231 = arith.muli %add3A_171, %mul3A_230 : i32
      %add3A_232 = arith.addi %mul3A_2, %mul3A_231 : i32
      %dma_start3A_233 = arith.constant 0 : i32
      %dma_start3A_234 = tpu.memref_slice %arg5[%add3A_232, %dma_start3A_233] : memref<819200x128xf32, #tpu.memory_space<hbm>> -> memref<200x128xf32, #tpu.memory_space<hbm>>
      %dma_start3A_235 = arith.constant 0 : i32
      %dma_start3A_236 = tpu.memref_slice %arg5[%add3A_232, %dma_start3A_235] : memref<819200x128xf32, #tpu.memory_space<hbm>> -> memref<200x128xf32, #tpu.memory_space<hbm>>
      tpu.enqueue_dma source(%arg7 : memref<200x128xf32, #tpu.memory_space<vmem>>) target(%dma_start3A_236 : memref<200x128xf32, #tpu.memory_space<hbm>>) target_semaphore(%arg12 : memref<!tpu.dma_semaphore, #tpu.memory_space<semaphore_mem>>)
    }
    %scan3A_61 = arith.constant 63 : i32
    %add3A_62 = arith.constant 25200 : i32
    %add3A_63 = arith.addi %mul3A_2, %add3A_62 : i32
    %dma_wait3A_64 = arith.constant 0 : i32
    %dma_wait3A_65 = tpu.memref_slice %arg5[%add3A_63, %dma_wait3A_64] : memref<819200x128xf32, #tpu.memory_space<hbm>> -> memref<200x128xf32, #tpu.memory_space<hbm>>
    %dma_wait3A_66 = arith.constant 0 : i32
    %dma_wait3A_67 = tpu.memref_slice %arg5[%add3A_63, %dma_wait3A_66] : memref<819200x128xf32, #tpu.memory_space<hbm>> -> memref<200x128xf32, #tpu.memory_space<hbm>>
    tpu.wait_dma2 semaphore(%arg12 : memref<!tpu.dma_semaphore, #tpu.memory_space<semaphore_mem>>) src(%arg7 : memref<200x128xf32, #tpu.memory_space<vmem>>) dst(%dma_wait3A_67 : memref<200x128xf32, #tpu.memory_space<hbm>>)
    %dma_wait3A_68 = arith.constant 0 : i32
    %dma_wait3A_69 = arith.constant 0 : i32
    %dma_wait3A_70 = tpu.memref_slice %arg8[%dma_wait3A_68, %dma_wait3A_69] : memref<200x128xf32, #tpu.memory_space<vmem>> -> memref<128x128xf32, #tpu.memory_space<vmem>>
    %dma_wait3A_71 = arith.constant 25400 : i32
    %dma_wait3A_72 = tpu.memref_slice %arg6[%dma_wait3A_71] : memref<25600xi32, #tpu.memory_space<vmem>> -> memref<128xi32, #tpu.memory_space<vmem>>
    %dma_wait3A_73 = arith.constant 0 : i32
    %dma_wait3A_74 = arith.constant 0 : i32
    %dma_wait3A_75 = tpu.memref_slice %arg3[%dma_wait3A_73, %dma_wait3A_74] : memref<1000000x128xf32, #tpu.memory_space<hbm>> -> memref<1000000x128xf32, #tpu.memory_space<hbm>>
    tpu.wait_indirect_dma semaphore(%arg11 : memref<!tpu.dma_semaphore, #tpu.memory_space<semaphore_mem>>) src(%dma_wait3A_75 : memref<1000000x128xf32, #tpu.memory_space<hbm>>) dst(%dma_wait3A_70 : memref<128x128xf32, #tpu.memory_space<vmem>>)
    %dma_wait3A_76 = arith.constant 128 : i32
    %dma_wait3A_77 = arith.constant 0 : i32
    %dma_wait3A_78 = tpu.memref_slice %arg8[%dma_wait3A_76, %dma_wait3A_77] : memref<200x128xf32, #tpu.memory_space<vmem>> -> memref<72x128xf32, #tpu.memory_space<vmem>>
    %dma_wait3A_79 = arith.constant 25528 : i32
    %dma_wait3A_80 = tpu.memref_slice %arg6[%dma_wait3A_79] : memref<25600xi32, #tpu.memory_space<vmem>> -> memref<72xi32, #tpu.memory_space<vmem>>
    %dma_wait3A_81 = arith.constant 0 : i32
    %dma_wait3A_82 = arith.constant 0 : i32
    %dma_wait3A_83 = tpu.memref_slice %arg3[%dma_wait3A_81, %dma_wait3A_82] : memref<1000000x128xf32, #tpu.memory_space<hbm>> -> memref<1000000x128xf32, #tpu.memory_space<hbm>>
    tpu.wait_indirect_dma semaphore(%arg11 : memref<!tpu.dma_semaphore, #tpu.memory_space<semaphore_mem>>) src(%dma_wait3A_83 : memref<1000000x128xf32, #tpu.memory_space<hbm>>) dst(%dma_wait3A_78 : memref<72x128xf32, #tpu.memory_space<vmem>>)
    %parallel_loop3A_84 = arith.constant 0 : i32
    %parallel_loop3A_85 = arith.constant 200 : i32
    %parallel_loop3A_86 = arith.constant 1 : i32
    scf.for %parallel_loop3A_99 = %parallel_loop3A_84 to %parallel_loop3A_85 step %parallel_loop3A_86  : i32 {
      %parallel_loop3A_100 = arith.index_cast %parallel_loop3A_99 : i32 to index
      %parallel_loop3A_101 = arith.constant 0 : index
      %parallel_loop3A_102 = tpu.vector_load %arg8[%parallel_loop3A_100, %parallel_loop3A_101] {strides = array<i32>} : memref<200x128xf32, #tpu.memory_space<vmem>>, vector<1x16xf32>,
      %parallel_loop3A_103 = vector.shape_cast %parallel_loop3A_102 : vector<1x16xf32> to vector<16xf32>
      %parallel_loop3A_104 = arith.index_cast %parallel_loop3A_99 : i32 to index
      %parallel_loop3A_105 = arith.constant 0 : index
      %parallel_loop3A_106 = tpu.vector_load %arg9[%parallel_loop3A_104, %parallel_loop3A_105] {strides = array<i32>} : memref<200x64xf32, #tpu.memory_space<vmem>>, vector<1x16xf32>,
      %parallel_loop3A_107 = vector.shape_cast %parallel_loop3A_106 : vector<1x16xf32> to vector<16xf32>
      %parallel_loop3A_108 = arith.addf %parallel_loop3A_103, %parallel_loop3A_107 : vector<16xf32>
      %parallel_loop3A_109 = arith.index_cast %parallel_loop3A_99 : i32 to index
      %parallel_loop3A_110 = arith.constant 0 : index
      %parallel_loop3A_111 = tpu.vector_load %arg8[%parallel_loop3A_109, %parallel_loop3A_110] {strides = array<i32>} : memref<200x128xf32, #tpu.memory_space<vmem>>, vector<1x16xf32>,
      %parallel_loop3A_112 = vector.shape_cast %parallel_loop3A_111 : vector<1x16xf32> to vector<16xf32>
      %parallel_loop3A_113 = vector.shape_cast %parallel_loop3A_108 : vector<16xf32> to vector<1x16xf32>
      tpu.vector_store %arg8[%parallel_loop3A_109, %parallel_loop3A_110], %parallel_loop3A_113 {strides = array<i32>} : memref<200x128xf32, #tpu.memory_space<vmem>>, vector<1x16xf32>,
      %parallel_loop3A_114 = arith.index_cast %parallel_loop3A_99 : i32 to index
      %parallel_loop3A_115 = arith.constant 16 : index
      %parallel_loop3A_116 = tpu.vector_load %arg8[%parallel_loop3A_114, %parallel_loop3A_115] {strides = array<i32>} : memref<200x128xf32, #tpu.memory_space<vmem>>, vector<1x16xf32>,
      %parallel_loop3A_117 = vector.shape_cast %parallel_loop3A_116 : vector<1x16xf32> to vector<16xf32>
      %parallel_loop3A_118 = arith.index_cast %parallel_loop3A_99 : i32 to index
      %parallel_loop3A_119 = arith.constant 16 : index
      %parallel_loop3A_120 = tpu.vector_load %arg9[%parallel_loop3A_118, %parallel_loop3A_119] {strides = array<i32>} : memref<200x64xf32, #tpu.memory_space<vmem>>, vector<1x16xf32>,
      %parallel_loop3A_121 = vector.shape_cast %parallel_loop3A_120 : vector<1x16xf32> to vector<16xf32>
      %parallel_loop3A_122 = arith.addf %parallel_loop3A_117, %parallel_loop3A_121 : vector<16xf32>
      %parallel_loop3A_123 = arith.index_cast %parallel_loop3A_99 : i32 to index
      %parallel_loop3A_124 = arith.constant 16 : index
      %parallel_loop3A_125 = tpu.vector_load %arg8[%parallel_loop3A_123, %parallel_loop3A_124] {strides = array<i32>} : memref<200x128xf32, #tpu.memory_space<vmem>>, vector<1x16xf32>,
      %parallel_loop3A_126 = vector.shape_cast %parallel_loop3A_125 : vector<1x16xf32> to vector<16xf32>
      %parallel_loop3A_127 = vector.shape_cast %parallel_loop3A_122 : vector<16xf32> to vector<1x16xf32>
      tpu.vector_store %arg8[%parallel_loop3A_123, %parallel_loop3A_124], %parallel_loop3A_127 {strides = array<i32>} : memref<200x128xf32, #tpu.memory_space<vmem>>, vector<1x16xf32>,
      %parallel_loop3A_128 = arith.index_cast %parallel_loop3A_99 : i32 to index
      %parallel_loop3A_129 = arith.constant 32 : index
      %parallel_loop3A_130 = tpu.vector_load %arg8[%parallel_loop3A_128, %parallel_loop3A_129] {strides = array<i32>} : memref<200x128xf32, #tpu.memory_space<vmem>>, vector<1x16xf32>,
      %parallel_loop3A_131 = vector.shape_cast %parallel_loop3A_130 : vector<1x16xf32> to vector<16xf32>
      %parallel_loop3A_132 = arith.index_cast %parallel_loop3A_99 : i32 to index
      %parallel_loop3A_133 = arith.constant 32 : index
      %parallel_loop3A_134 = tpu.vector_load %arg9[%parallel_loop3A_132, %parallel_loop3A_133] {strides = array<i32>} : memref<200x64xf32, #tpu.memory_space<vmem>>, vector<1x16xf32>,
      %parallel_loop3A_135 = vector.shape_cast %parallel_loop3A_134 : vector<1x16xf32> to vector<16xf32>
      %parallel_loop3A_136 = arith.addf %parallel_loop3A_131, %parallel_loop3A_135 : vector<16xf32>
      %parallel_loop3A_137 = arith.index_cast %parallel_loop3A_99 : i32 to index
      %parallel_loop3A_138 = arith.constant 32 : index
      %parallel_loop3A_139 = tpu.vector_load %arg8[%parallel_loop3A_137, %parallel_loop3A_138] {strides = array<i32>} : memref<200x128xf32, #tpu.memory_space<vmem>>, vector<1x16xf32>,
      %parallel_loop3A_140 = vector.shape_cast %parallel_loop3A_139 : vector<1x16xf32> to vector<16xf32>
      %parallel_loop3A_141 = vector.shape_cast %parallel_loop3A_136 : vector<16xf32> to vector<1x16xf32>
      tpu.vector_store %arg8[%parallel_loop3A_137, %parallel_loop3A_138], %parallel_loop3A_141 {strides = array<i32>} : memref<200x128xf32, #tpu.memory_space<vmem>>, vector<1x16xf32>,
      %parallel_loop3A_142 = arith.index_cast %parallel_loop3A_99 : i32 to index
      %parallel_loop3A_143 = arith.constant 48 : index
      %parallel_loop3A_144 = tpu.vector_load %arg8[%parallel_loop3A_142, %parallel_loop3A_143] {strides = array<i32>} : memref<200x128xf32, #tpu.memory_space<vmem>>, vector<1x16xf32>,
      %parallel_loop3A_145 = vector.shape_cast %parallel_loop3A_144 : vector<1x16xf32> to vector<16xf32>
      %parallel_loop3A_146 = arith.index_cast %parallel_loop3A_99 : i32 to index
      %parallel_loop3A_147 = arith.constant 48 : index
      %parallel_loop3A_148 = tpu.vector_load %arg9[%parallel_loop3A_146, %parallel_loop3A_147] {strides = array<i32>} : memref<200x64xf32, #tpu.memory_space<vmem>>, vector<1x16xf32>,
      %parallel_loop3A_149 = vector.shape_cast %parallel_loop3A_148 : vector<1x16xf32> to vector<16xf32>
      %parallel_loop3A_150 = arith.addf %parallel_loop3A_145, %parallel_loop3A_149 : vector<16xf32>
      %parallel_loop3A_151 = arith.index_cast %parallel_loop3A_99 : i32 to index
      %parallel_loop3A_152 = arith.constant 48 : index
      %parallel_loop3A_153 = tpu.vector_load %arg8[%parallel_loop3A_151, %parallel_loop3A_152] {strides = array<i32>} : memref<200x128xf32, #tpu.memory_space<vmem>>, vector<1x16xf32>,
      %parallel_loop3A_154 = vector.shape_cast %parallel_loop3A_153 : vector<1x16xf32> to vector<16xf32>
      %parallel_loop3A_155 = vector.shape_cast %parallel_loop3A_150 : vector<16xf32> to vector<1x16xf32>
      tpu.vector_store %arg8[%parallel_loop3A_151, %parallel_loop3A_152], %parallel_loop3A_155 {strides = array<i32>} : memref<200x128xf32, #tpu.memory_space<vmem>>, vector<1x16xf32>,
    } {sc.loop_unroll_factor = 8 : i64, sc.parallel_access}
    %add3A_87 = arith.constant 25400 : i32
    %add3A_88 = arith.addi %mul3A_2, %add3A_87 : i32
    %dma_start3A_89 = arith.constant 0 : i32
    %dma_start3A_90 = tpu.memref_slice %arg5[%add3A_88, %dma_start3A_89] : memref<819200x128xf32, #tpu.memory_space<hbm>> -> memref<200x128xf32, #tpu.memory_space<hbm>>
    %dma_start3A_91 = arith.constant 0 : i32
    %dma_start3A_92 = tpu.memref_slice %arg5[%add3A_88, %dma_start3A_91] : memref<819200x128xf32, #tpu.memory_space<hbm>> -> memref<200x128xf32, #tpu.memory_space<hbm>>
    tpu.enqueue_dma source(%arg8 : memref<200x128xf32, #tpu.memory_space<vmem>>) target(%dma_start3A_92 : memref<200x128xf32, #tpu.memory_space<hbm>>) target_semaphore(%arg13 : memref<!tpu.dma_semaphore, #tpu.memory_space<semaphore_mem>>)
    %add3A_93 = arith.constant 25400 : i32
    %add3A_94 = arith.addi %mul3A_2, %add3A_93 : i32
    %dma_wait3A_95 = arith.constant 0 : i32
    %dma_wait3A_96 = tpu.memref_slice %arg5[%add3A_94, %dma_wait3A_95] : memref<819200x128xf32, #tpu.memory_space<hbm>> -> memref<200x128xf32, #tpu.memory_space<hbm>>
    %dma_wait3A_97 = arith.constant 0 : i32
    %dma_wait3A_98 = tpu.memref_slice %arg5[%add3A_94, %dma_wait3A_97] : memref<819200x128xf32, #tpu.memory_space<hbm>> -> memref<200x128xf32, #tpu.memory_space<hbm>>
    tpu.wait_dma2 semaphore(%arg13 : memref<!tpu.dma_semaphore, #tpu.memory_space<semaphore_mem>>) src(%arg8 : memref<200x128xf32, #tpu.memory_space<vmem>>) dst(%dma_wait3A_98 : memref<200x128xf32, #tpu.memory_space<hbm>>)
    return
  }
}

</mosaic_0001>

<sc_bundles>
// kernel: kernel.3.cloned.1.call-start
scs
__scs_entry_jumppad:
0x0: {  	(pc) =	sbr.rel $0x88, $3  }
0x1: {  	(tag) =	ssettag $0x0;
	lr =	simm.s32 $0x1  }
0x2: {  	[smem:$0x3F9E] =	sst lr;
	_ =	strace $0xD0000000  }
0x3: {  	_ = 	snop  }
0x4: {  	_ = 	snop  }
0x5: {  	_ = 	snop  }
0x6: {  	_ = 	snop  }
0x7: {  	_ = 	snop  }
__scs_overlays_trampoline_lowered:
0x8: {  	[smem:$0x3FAD] =	sst s0  }
0x9: {  	[smem:$0x3FAE] =	sst s1  }
0xa: {  	[smem:$0x3FAF] =	sst s2  }
0xb: {  	[smem:$0x3FB0] =	sst s3  }
0xc: {  	[smem:$0x3FB1] =	sst s4  }
0xd: {  	[smem:$0x3FB2] =	sst s5  }
0xe: {  	[smem:$0x3FB3] =	sst s6  }
0xf: {  	[smem:$0x3FB4] =	sst s7  }
0x10: {  	[smem:$0x3FB5] =	sst s8  }
0x11: {  	[smem:$0x3FB6] =	sst s9;
	s0 =	simm.s32 @!p0 $0x0  }
0x12: {  	s1 =	sld [smem:$0x3F9C];
	s0 =	simm.s32 @p0 $0x1  }
0x13: {  	[smem:$0x3FB7] =	sst s0;
	s0 =	simm.s32 @!p1 $0x0  }
0x14: {  	s2 =	sld [smem:$0x3F9B];
	s0 =	simm.s32 @p1 $0x1  }
0x15: {  	[smem:$0x3FB8] =	sst s0;
	s0 =	simm.s32 @!p2 $0x0  }
0x16: {  	s3 =	sld [smem:$0x3FDB];
	s0 =	simm.s32 @p2 $0x1  }
0x17: {  	s4 =	simm.s32 $0x1BF5;
	[smem:$0x3FBA] =	sst s0  }
0x18: {  	s0 =	sld [smem:$0x3F9D];
	_ =	swait.ge [sflag:s4], $0x0  }
0x19: {  	s7 =	sld [smem:$0x3F9E]  }
0x1a: {  	s8 =	sadd.s32 $0xFFFFE003, lr  }
0x1b: {  	s9 =	sadd.s32 $0xFFFFFEF7, lr;
	s5 =	simm.s32 $0xFFFFFFFF;
	p2 =	slt.u32 s8, $0xFFFFF086  }
0x1c: {  	p1 =	slt.u32 s9, $0xF7A;
	s5 =	simm.s32 @!p2 $0x0  }
0x1d: {  	s5 =	simm.s32 @p1 $0x1;
	p0 =	seq.s32 s7, s2  }
0x1e: {  	s7 =	smul.u32 @!p0 $0xF7A, s2;
	p2 =	seq.s32 @!p0 s5, $0x0  }
0x1f: {  	s9 =	smul.u32 $0xF7A, s1;
	s8 =	simm.s32 @!p0 $0x1BF5;
	p2 =	por !p2, p0  }
0x20: {  	[sflag:s8] =	ssyncset.s32 @!p0 $0xFFFFF086;
	s6 =	sadd.s32 @!p0 s3, s7;
	s7 =	simm.s32 @!p0 $0x108  }
0x21: {  	s3 =	sadd.s32 s3, s9;
	s6 =	sadd.s32 @!p0 $0x88, s6;
	s7 =	simm.s32 @p2 $0x1082  }
0x22: {  	[simem:s7], [sflag:s8] =	dma.local @!p0 [hbm:s6], $0xF7A  }
0x23: {  	s9 =	sor.u32 $0xD0000000, s2;
	s6 =	simm.s32 $0x108;
	_ =	swait.ge @!p0 [sflag:s8], $0x0  }
0x24: {  	s3 =	sadd.s32 $0x88, s3;
	s6 =	simm.s32 @!p1 $0x1082;
	[sflag:s4] =	ssyncset.s32 $0xFFFFF086  }
0x25: {  	[simem:s6], [sflag:s4] =	dma.local [hbm:s3], $0xF7A  }
0x26: {  	[smem:$0x3F9E] =	sst s1;
	(tag) =	ssettag s2;
	_ =	strace s9  }
0x27: {  	s1 =	sld [smem:$0x3FAE]  }
0x28: {  	s2 =	sld [smem:$0x3FAF]  }
0x29: {  	s4 =	sld [smem:$0x3FB1]  }
0x2a: {  	p0 =	seq.s32 s5, $0x0;
	s5 =	sld [smem:$0x3FB2]  }
0x2b: {  	s6 =	sld [smem:$0x3FB3]  }
0x2c: {  	s7 =	sld [smem:$0x3FB4]  }
0x2d: {  	s3 =	simm.s32 $0x108;
	s8 =	sld [smem:$0x3FB5]  }
0x2e: {  	s3 =	simm.s32 @!p0 $0x1082;
	s9 =	sld [smem:$0x3FB6]  }
0x2f: {  	lr =	sadd.s32 s0, s3;
	s0 =	sld [smem:$0x3FAD]  }
0x30: {  	s3 =	sld [smem:$0x3FB0]  }
0x31: {  	[smem:$0x3FB9] =	sst s10  }
0x32: {  	s10 =	sld [smem:$0x3FB7];
	_ =	sdelay $0x3  }
0x33: {  	p0 =	seq.s32 s10, $0x1;
	s10 =	sld [smem:$0x3FB9];
	_ =	sdelay $0x3  }
0x34: {  	[smem:$0x3FB9] =	sst s10  }
0x35: {  	s10 =	sld [smem:$0x3FB8];
	_ =	sdelay $0x3  }
0x36: {  	p1 =	seq.s32 s10, $0x1;
	s10 =	sld [smem:$0x3FB9];
	_ =	sdelay $0x3  }
0x37: {  	[smem:$0x3FB9] =	sst s10  }
0x38: {  	s10 =	sld [smem:$0x3FBA]  }
0x39: {  	_ = 	snop;
	(pc) =	sbr.ind lr, $3  }
0x3a: {  	_ = 	snop  }
0x3b: {  	_ = 	snop  }
0x3c: {  	p2 =	seq.s32 s10, $0x1;
	s10 =	sld [smem:$0x3FB9]  }
0x3d: {  	_ =	shalt  }
0x3e: {  	_ =	shalt  }
0x3f: {  	_ =	shalt  }
0x40: {  	_ =	shalt  }
0x41: {  	_ =	shalt  }
0x42: {  	_ =	shalt  }
0x43: {  	_ =	shalt  }
0x44: {  	_ =	shalt  }
0x45: {  	_ =	shalt  }
0x46: {  	_ =	shalt  }
0x47: {  	_ =	shalt  }
0x48: {  	_ =	shalt  }
0x49: {  	_ =	shalt  }
0x4a: {  	_ =	shalt  }
0x4b: {  	_ =	shalt  }
0x4c: {  	_ =	shalt  }
0x4d: {  	_ =	shalt  }
0x4e: {  	_ =	shalt  }
0x4f: {  	_ =	shalt  }
0x50: {  	_ =	shalt  }
0x51: {  	_ =	shalt  }
0x52: {  	_ =	shalt  }
0x53: {  	_ =	shalt  }
0x54: {  	_ =	shalt  }
0x55: {  	_ =	shalt  }
0x56: {  	_ =	shalt  }
0x57: {  	_ =	shalt  }
0x58: {  	_ =	shalt  }
0x59: {  	_ =	shalt  }
0x5a: {  	_ =	shalt  }
0x5b: {  	_ =	shalt  }
0x5c: {  	_ =	shalt  }
0x5d: {  	_ =	shalt  }
0x5e: {  	_ =	shalt  }
0x5f: {  	_ =	shalt  }
0x60: {  	_ =	shalt  }
0x61: {  	_ =	shalt  }
0x62: {  	_ =	shalt  }
0x63: {  	_ =	shalt  }
0x64: {  	_ =	shalt  }
0x65: {  	_ =	shalt  }
0x66: {  	_ =	shalt  }
0x67: {  	_ =	shalt  }
0x68: {  	_ =	shalt  }
0x69: {  	_ =	shalt  }
0x6a: {  	_ =	shalt  }
0x6b: {  	_ =	shalt  }
0x6c: {  	_ =	shalt  }
0x6d: {  	_ =	shalt  }
0x6e: {  	_ =	shalt  }
0x6f: {  	_ =	shalt  }
0x70: {  	_ =	shalt  }
0x71: {  	_ =	shalt  }
0x72: {  	_ =	shalt  }
0x73: {  	_ =	shalt  }
0x74: {  	_ =	shalt  }
0x75: {  	_ =	shalt  }
0x76: {  	_ =	shalt  }
0x77: {  	_ =	shalt  }
0x78: {  	_ =	shalt  }
0x79: {  	_ =	shalt  }
0x7a: {  	_ =	shalt  }
0x7b: {  	_ =	shalt  }
0x7c: {  	_ =	shalt  }
0x7d: {  	_ =	shalt  }
0x7e: {  	_ =	shalt  }
0x7f: {  	_ =	shalt  }
0x80: {  	_ =	shalt  }
0x81: {  	_ =	shalt  }
0x82: {  	_ =	shalt  }
0x83: {  	_ =	shalt  }
0x84: {  	_ =	shalt  }
0x85: {  	_ =	shalt  }
0x86: {  	_ =	shalt  }
0x87: {  	_ =	shalt  }
.Lfunc_end0:
.L_simem_size_0:
called_computation.1_lowered:
.L_overlay_start_0:
0x88: {  	s2 =	sld [smem:$0x3FD9]  }
0x89: {  	s3 =	sld [smem:$0x3FFE];
	_ =	sdelay $0x1  }
0x8a: {  	s1 =	srdreg.scid  }
0x8b: {  	s0 =	sand.u32 $0x1, s1  }
0x8c: {  	s17 =	sshll.u32 s0, $0xA;
	s2 =	sadd.s32 s3, s2  }
0x8d: {  	s2 =	sadd.s32 s2, s17  }
0x8e: {  	[smem:$0x3FC5] =	sst s2  }
0x8f: {  	_ = 	snop  }
0x90: {  	s2 =	sld [smem:$0x3FD0];
	(tm) =	ssettm $0x1  }
0x91: {  	s18 =	sld [smem:$0x3FFB];
	_ =	sdelay $0x3  }
0x92: {  	_ =	strace s18  }
0x93: {  	s3 =	sld [smem:$0x3FFC];
	_ =	sdelay $0x3  }
0x94: {  	_ =	strace s3  }
0x95: {  	s3 =	sld [smem:$0x3FFD];
	_ =	sdelay $0x3  }
0x96: {  	_ =	strace s3  }
0x97: {  	_ =	strace $0x8FFFFFFF  }
0x98: {  	s19 =	sld [smem:$0x3FDB];
	_ =	sdelay $0x1  }
0x99: {  	s4 =	simm.s32 $_scs_section_size  }
0x9a: {  	s5 =	simm.s32 $_size__tile_overlayer_lowered;
	s6 =	simm.s32 $_tile_overlayer_lowered  }
0x9b: {  	s22 =	simm.s32 $0x1BFF;
	s21 =	sshll.u32 s6, $0x1;
	s3 =	sadd.s32 s4, s19  }
0x9c: {  	s7 =	simm.s32 $0x0;
	s20 =	sshll.u32 s5, $0x1;
	s5 =	sadd.s32 s21, s3  }
0x9d: {  	[timem:s7], [sflag:s22] =	dma.local [hbm:s5], s20  }
0x9e: {  	_ =	swait.ge [sflag:s22], s20  }
0x9f: {  	s4 =	ssub.s32 $0x0, s20;
	[sflag:s22] =	ssyncset.done $0x0  }
0xa0: {  	[sflag:s22] =	ssyncadd.s32 s4;
	_ =	sdelay $0x1  }
0xa1: {  	s23 =	simm.s32 $0x1B8B  }
0xa2: {  	_ =	swait.ge [sflag:s23], $0x1  }
0xa3: {  	[sflag:s23] =	ssyncset.done $0x0  }
0xa4: {  	s25 =	simm.s32 $0x1B8E;
	s24 =	sld [smem:$0x3FFE];
	[sflag:s23] =	ssyncadd.s32 $0xFFFFFFFF  }
0xa5: {  	s26 =	simm.s32 $execute0_lowered;
	[smem:$0x3FD2] =	sst s25  }
0xa6: {  	s5 =	sshll.u32 s26, $0x1;
	_ =	strace $0x80000046;
	[dreg:$0x1] =	wrdreg $0xFFFFFFFF  }
0xa7: {  	s28 =	simm.s32 $_size_execute0_lowered;
	s3 =	sadd.s32 s3, s5;
	[dreg:$0x0] =	wrdreg $0x0  }
0xa8: {  	s5 =	sshll.u32 s28, $0x1;
	[dreg:$0x2] =	wrdreg s3  }
0xa9: {  	[dreg:$0x3] =	wrdreg s5  }
0xaa: {  	[dreg:$0x4] =	wrdreg $0xC0  }
0xab: {  	_ =	task [dreg:s7], $0x5FFFF  }
0xac: {  	[dreg:$0x1] =	wrdreg $0xFFFFFFFF  }
0xad: {  	[dreg:$0x0] =	wrdreg $0x60  }
0xae: {  	[dreg:$0x2] =	wrdreg s2  }
0xaf: {  	[dreg:$0x3] =	wrdreg s24  }
0xb0: {  	[dreg:$0x4] =	wrdreg $0x9  }
0xb1: {  	_ =	task.clear_ibuf [dreg:s7], $0x5FFFF;
	_ =	strace $0x90000046  }
0xb2: {  	s29 =	simm.s32 $0x9;
	_ =	strace $0x80000048  }
0xb3: {  	_ =	swait.ge [sflag:s29], $0x1  }
0xb4: {  	[sflag:s29] =	ssyncadd.s32 $0xFFFFFFFF  }
0xb5: {  	_ =	strace $0x90000048  }
0xb6: {  	_ =	sfence  }
0xb7: {  	s30 =	sld [smem:$0x0];
	_ =	sdelay $0x2  }
0xb8: {  	s31 =	sshll.u32 s1, $0xD;
	s1 =	sshrl.u32 s1, $0x2  }
0xb9: {  	s3 =	sand.u32 $0x4000, s31;
	s1 =	sadd.s32 s1, s30  }
0xba: {  	s0 =	sor.u32 s3, s0;
	s1 =	sshll.u32 s1, $0x11  }
0xbb: {  	s0 =	sor.u32 s1, s0  }
0xbc: {  	s0 =	sadd.s32 $0x8F2B, s0  }
0xbd: {  	[sflag:s0] =	ssyncadd.remote.s32 $0x1  }
0xbe: {  	_ =	sfence.sel $0xFFFF  }
0xbf: {  	[dreg:$0x0] =	wrdreg $0xFFFFFFFF;
	(pc) =	sbr.abs _section_cstart, $3  }
0xc0: {  	[dreg:$0x1] =	wrdreg $0xFFFFFFFF  }
0xc1: {  	_ =	task.clear_ibuf [dreg:s7], $0x2FFFF;
	_ =	strace $0x9FFFFFFF  }
0xc2: {  	(tm) =	ssettm $0x7FFFFFFF  }
0xc3: {  	_ =	shalt  }
tec
execute0_lowered:
.L_overlay_start_1:
0x0: {  	(tag) =	ssettag $0x1  }
0x1: {  	s0 =	rddreg [dreg:$0x0]  }
0x2: {  	s1 =	rddreg [dreg:$0x1]  }
0x3: {  	s2 =	simm.s32 $0x0;
	s3 =	srdreg.scid;
	s4 =	stileid.u32  }
0x4: {  	s13 =	simm.s32 $0x5;
	s14 =	simm.s32 $0x80;
	s15 =	simm.s32 $0x6400  }
0x5: {  	s16 =	simm.s32 $0x48;
	s17 =	simm.s32 $0xA400;
	s18 =	simm.s32 $0xC8  }
0x6: {  	s19 =	simm.s32 $0xC800;
	s20 =	simm.s32 $0x148;
	s21 =	simm.s32 $0x10800  }
0x7: {  	s22 =	simm.s32 $0x1;
	s23 =	simm.s32 $0x3;
	s24 =	simm.s32 $0x2  }
0x8: {  	s25 =	simm.s32 $0x4;
	s6 =	sand.u32 $0x1, s3;
	s28 =	sshll.u32 s4, $0x1  }
0x9: {  	s26 =	simm.s32 $0x0;
	[smem:$0x7FF] =	sst s2;
	s7 =	sor.u32 s6, s28  }
0xa: {  	s3 =	sadd.s32 $0xF43E00, s1;
	s5 =	sadd.s32 $0xF43000, s1;
	s4 =	smul.u32 $0x6400, s7  }
0xb: {  	_ =	strace $0x80000047;
	s8 =	ssub.s32 $0x2, s6;
	s9 =	smul.u32 $0x320000, s7  }
0xc: {  	s6 =	sadd.s32 $0xC00, s1;
	s29 =	sshrl.u32 s8, $0x1;
	s10 =	smul.u32 $0x64000, s7  }
0xd: {  	s1 =	ssub.s32 s8, s29;
	s30 =	sshrl.u32 s4, $0x3;
	s9 =	sshrl.u32 s9, $0x3  }
0xe: {  	s8 =	sadd.s32 s6, s10;
	s11 =	smax.u32 s1, $0x1;
	s31 =	sadd.s32 s6, s9  }
0xf: {  	s7 =	sadd.s32 s0, s30;
	s9 =	sor.u32 $0xC8, s4;
	s10 =	sadd.s32 $0x63380, s31  }
.LBB2_1:
0x10: {  	s0 =	simm.s32 $0x12C00  }
0x11: {  	[tilespmem:s0], [sflag:$0x5] =	stream.linear.gather [hbm4b:s5+s2], $0x6400, $0x38;
	[tilespmem:$0x19000] =	vst v63  }
0x12: {  	_ =	swait.ge [sflag:s13], $0x6400  }
0x13: {  	[sflag:s13] =	ssyncset.done $0x0  }
0x14: {  	[sflag:s13] =	ssyncadd.s32 $0xFFFF9C00  }
0x15: {  	[tilespmem:s2], [sflag:$0x5] =	stream.linear.gather [hbm4b:s7+s2], $0x6400, $0x38;
	[tilespmem:$0x19000] =	vst v63  }
0x16: {  	_ =	swait.ge [sflag:s13], $0x6400  }
0x17: {  	[sflag:s13] =	ssyncset.done $0x0  }
0x18: {  	[sflag:s13] =	ssyncadd.s32 $0xFFFF9C00  }
0x19: {  	[tilespmem:s15], [sflag:$0x1] =	stream.indirect.gather [hbm4b:s3+s14], $0x80, s2, s14, $0xb8;
	[tilespmem:$0x19000] =	vst v63  }
0x1a: {  	_ = 	snop  }
0x1b: {  	[tilespmem:s17], [sflag:$0x1] =	stream.indirect.gather [hbm4b:s3+s16], $0x80, s14, s16, $0xb8;
	[tilespmem:$0x19000] =	vst v63  }
0x1c: {  	_ = 	snop  }
0x1d: {  	[tilespmem:s19], [sflag:$0x2] =	stream.indirect.gather [hbm4b:s3+s14], $0x80, s18, s14, $0xb8;
	[tilespmem:$0x19000] =	vst v63  }
0x1e: {  	_ = 	snop  }
0x1f: {  	[tilespmem:s21], [sflag:$0x2] =	stream.indirect.gather [hbm4b:s3+s16], $0x80, s20, s16, $0xb8;
	[tilespmem:$0x19000] =	vst v63  }
0x20: {  	_ =	swait.ge [sflag:s22], $0x4000  }
0x21: {  	[sflag:s22] =	ssyncset.done $0x0  }
0x22: {  	[sflag:s22] =	ssyncadd.s32 $0xFFFFC000  }
0x23: {  	_ =	swait.ge [sflag:s22], $0x2400  }
0x24: {  	[sflag:s22] =	ssyncset.done $0x0  }
0x25: {  	s28 =	simm.s32 $0x6600;
	[sflag:s22] =	ssyncadd.s32 $0xFFFFDC00  }
0x26: {  	s29 =	simm.s32 $0x12E00;
	v0 =	vld [tilespmem:s28+$0x180]  }
0x27: {  	v1 =	vld [tilespmem:s29+$0x180]  }
0x28: {  	v2 =	vld [tilespmem:s29+$0xFFFFFE00]  }
0x29: {  	v3 =	vld [tilespmem:s28+$0xFFFFFE80]  }
0x2a: {  	v4 =	vld [tilespmem:s28+$0xFFFFFF00]  }
0x2b: {  	v6 =	vld [tilespmem:s29+$0xFFFFFF00]  }
0x2c: {  	v7 =	vld [tilespmem:s28+$0xFFFFFF80]  }
0x2d: {  	v8 =	vld [tilespmem:s29+$0xFFFFFF80]  }
0x2e: {  	v9 =	vld [tilespmem:s28+$0x0]  }
0x2f: {  	v10 =	vld [tilespmem:s29+$0x0]  }
0x30: {  	v11 =	vld [tilespmem:s29+$0x80]  }
0x31: {  	v60 =	vld [tilespmem:s28+$0xFFFFFF90]  }
0x32: {  	v13 =	vld [tilespmem:s28+$0x10]  }
0x33: {  	v61 =	vld [tilespmem:s28+$0xFFFFFFA0]  }
0x34: {  	v62 =	vld [tilespmem:s28+$0xA0];
	v0 =	vadd.f32 v1, v0  }
0x35: {  	v1 =	vld [tilespmem:s29+$0xFFFFFE80]  }
0x36: {  	[tilespmem:s28+$0x180] =	vst v0;
	v0 =	vld [tilespmem:s28+$0x190]  }
0x37: {  	v5 =	vld [tilespmem:s29+$0x190]  }
0x38: {  	v63 =	vld [tilespmem:s28+$0xFFFFFE30];
	v4 =	vadd.f32 v6, v4  }
0x39: {  	v6 =	vld [tilespmem:s29+$0x100]  }
0x3a: {  	[tilespmem:s28+$0xFFFFFF00] =	vst v4;
	v4 =	vadd.f32 v10, v9;
	v10 =	vld [tilespmem:s28+$0xFFFFFE90];
	v1 =	vadd.f32 v1, v3  }
0x3b: {  	v3 =	vld [tilespmem:s28+$0x100]  }
0x3c: {  	[tilespmem:s28+$0xFFFFFE80] =	vst v1;
	v0 =	vadd.f32 v5, v0;
	v5 =	vld [tilespmem:s28+$0x80]  }
0x3d: {  	v1 =	vadd.f32 v8, v7;
	v8 =	vld [tilespmem:s29+$0xFFFFFE90]  }
0x3e: {  	[tilespmem:s28+$0x190] =	vst v0;
	v0 =	vld [tilespmem:s28+$0x1A0]  }
0x3f: {  	[tilespmem:s28+$0x0] =	vst v4;
	v12 =	vld [tilespmem:s29+$0x1A0]  }
0x40: {  	v9 =	vld [tilespmem:s29+$0x10]  }
0x41: {  	v7 =	vld [tilespmem:s28+$0xFFFFFE00]  }
0x42: {  	[tilespmem:s28+$0xFFFFFF80] =	vst v1;
	v1 =	vld [tilespmem:s29+$0xFFFFFF10]  }
0x43: {  	v4 =	vld [tilespmem:s29+$0xFFFFFF90];
	v8 =	vadd.f32 v8, v10  }
0x44: {  	v5 =	vadd.f32 v11, v5;
	v11 =	vld [tilespmem:s28+$0xFFFFFF10];
	v0 =	vadd.f32 v12, v0  }
0x45: {  	v10 =	vld [tilespmem:s28+$0x110];
	[tilespmem:s28+$0xFFFFFE90] =	vst v8  }
0x46: {  	v8 =	vld [tilespmem:s29+$0xFFFFFEA0];
	[tilespmem:s28+$0x1A0] =	vst v0;
	v0 =	vadd.f32 v2, v7  }
0x47: {  	[tilespmem:s28+$0x80] =	vst v5;
	v7 =	vld [tilespmem:s28+$0x1B0];
	v2 =	vadd.f32 v6, v3  }
0x48: {  	v5 =	vld [tilespmem:s29+$0x1B0];
	[tilespmem:s28+$0xFFFFFE00] =	vst v0  }
0x49: {  	v1 =	vadd.f32 v1, v11;
	[tilespmem:s28+$0x100] =	vst v2;
	v2 =	vld [tilespmem:s28+$0xFFFFFE10]  }
0x4a: {  	v3 =	vld [tilespmem:s29+$0xFFFFFE10]  }
0x4b: {  	[tilespmem:s28+$0xFFFFFF10] =	vst v1;
	v1 =	vadd.f32 v9, v13;
	v6 =	vld [tilespmem:s29+$0x110]  }
0x4c: {  	v4 =	vadd.f32 v4, v60;
	v0 =	vld [tilespmem:s29+$0x90]  }
0x4d: {  	v9 =	vld [tilespmem:s29+$0xFFFFFF20];
	[tilespmem:s28+$0x10] =	vst v1  }
0x4e: {  	[tilespmem:s28+$0xFFFFFF90] =	vst v4;
	v4 =	vld [tilespmem:s29+$0x20]  }
0x4f: {  	v2 =	vadd.f32 v3, v2;
	v3 =	vld [tilespmem:s28+$0x90]  }
0x50: {  	v1 =	vadd.f32 v6, v10;
	v10 =	vld [tilespmem:s28+$0xFFFFFF20]  }
0x51: {  	[tilespmem:s28+$0xFFFFFE10] =	vst v2;
	v2 =	vld [tilespmem:s28+$0xFFFFFE20]  }
0x52: {  	v11 =	vld [tilespmem:s29+$0xFFFFFE20]  }
0x53: {  	v5 =	vadd.f32 v5, v7;
	[tilespmem:s28+$0x110] =	vst v1;
	v1 =	vld [tilespmem:s28+$0xFFFFFEA0]  }
0x54: {  	v7 =	vld [tilespmem:s28+$0x30]  }
0x55: {  	[tilespmem:s28+$0x1B0] =	vst v5;
	v5 =	vld [tilespmem:s28+$0xB0]  }
0x56: {  	v6 =	vld [tilespmem:s29+$0x120]  }
0x57: {  	v0 =	vadd.f32 v0, v3;
	v3 =	vld [tilespmem:s29+$0xFFFFFFA0];
	v2 =	vadd.f32 v11, v2  }
0x58: {  	v1 =	vadd.f32 v8, v1;
	v8 =	vadd.f32 v9, v10;
	v9 =	vld [tilespmem:s28+$0xFFFFFF30]  }
0x59: {  	[tilespmem:s28+$0xFFFFFE20] =	vst v2;
	v2 =	vld [tilespmem:s28+$0x120]  }
0x5a: {  	[tilespmem:s28+$0x90] =	vst v0;
	v11 =	vld [tilespmem:s28+$0x20]  }
0x5b: {  	v0 =	vld [tilespmem:s29+$0xA0];
	[tilespmem:s28+$0xFFFFFEA0] =	vst v1  }
0x5c: {  	[tilespmem:s28+$0xFFFFFF20] =	vst v8;
	v8 =	vld [tilespmem:s28+$0xFFFFFFB0]  }
0x5d: {  	v1 =	vadd.f32 v3, v61;
	v14 =	vld [tilespmem:s29+$0xFFFFFEB0]  }
0x5e: {  	v10 =	vld [tilespmem:s29+$0xFFFFFE30];
	v6 =	vadd.f32 v6, v2  }
0x5f: {  	[tilespmem:s28+$0xFFFFFFA0] =	vst v1;
	v3 =	vadd.f32 v4, v11;
	v4 =	vld [tilespmem:s29+$0xFFFFFF30]  }
0x60: {  	v0 =	vadd.f32 v0, v62;
	[tilespmem:s28+$0x120] =	vst v6;
	v6 =	vld [tilespmem:s28+$0xFFFFFEB0]  }
0x61: {  	v1 =	vld [tilespmem:s29+$0xFFFFFFB0];
	[tilespmem:s28+$0x20] =	vst v3  }
0x62: {  	[tilespmem:s28+$0xA0] =	vst v0;
	v2 =	vld [tilespmem:s29+$0x30]  }
0x63: {  	v3 =	vld [tilespmem:s29+$0xB0];
	v10 =	vadd.f32 v10, v63  }
0x64: {  	v0 =	vld [tilespmem:s29+$0x130]  }
0x65: {  	s1 =	simm.s32 $0x6A00;
	s0 =	simm.s32 $0x0;
	[tilespmem:s28+$0xFFFFFE30] =	vst v10;
	v10 =	vadd.f32 v14, v6;
	v6 =	vld [tilespmem:s28+$0x130]  }
.LBB2_2:
0x66: {  	v11 =	vld [tilespmem:s1+$0x180];
	v4 =	vadd.f32 v4, v9;
	s29 =	sadd.s32 $0x400, s29  }
0x67: {  	s0 =	sadd.s32 $0x8, s0;
	v9 =	vld [tilespmem:s29+$0x180];
	[tilespmem:s28+$0xFFFFFEB0] =	vst v10;
	v1 =	vadd.f32 v1, v8  }
0x68: {  	p0 =	slt.u32 s0, $0xC0;
	v8 =	vld [tilespmem:s29+$0xFFFFFE00];
	[tilespmem:s28+$0xFFFFFF30] =	vst v4;
	v2 =	vadd.f32 v2, v7  }
0x69: {  	v4 =	vld [tilespmem:s1+$0xFFFFFE80];
	[tilespmem:s28+$0xFFFFFFB0] =	vst v1;
	v1 =	vadd.f32 v3, v5  }
0x6a: {  	v3 =	vld [tilespmem:s29+$0xFFFFFE80];
	[tilespmem:s28+$0x30] =	vst v2;
	v0 =	vadd.f32 v0, v6  }
0x6b: {  	v2 =	vld [tilespmem:s1+$0xFFFFFF00];
	[tilespmem:s28+$0xB0] =	vst v1  }
0x6c: {  	v1 =	vld [tilespmem:s29+$0xFFFFFF00];
	v5 =	vadd.f32 v9, v11;
	[tilespmem:s28+$0x130] =	vst v0;
	s28 =	smov.u32 s1  }
0x6d: {  	v0 =	vld [tilespmem:s1+$0xFFFFFF80]  }
0x6e: {  	[tilespmem:s1+$0x180] =	vst v5;
	v5 =	vld [tilespmem:s1+$0x190]  }
0x6f: {  	v3 =	vadd.f32 v3, v4;
	v4 =	vld [tilespmem:s29+$0x190]  }
0x70: {  	v6 =	vld [tilespmem:s29+$0xFFFFFF80]  }
0x71: {  	[tilespmem:s1+$0xFFFFFE80] =	vst v3;
	v1 =	vadd.f32 v1, v2;
	v2 =	vld [tilespmem:s1+$0x0]  }
0x72: {  	v3 =	vld [tilespmem:s29+$0x0]  }
0x73: {  	[tilespmem:s1+$0xFFFFFF00] =	vst v1;
	v1 =	vld [tilespmem:s1+$0x80]  }
0x74: {  	v7 =	vld [tilespmem:s29+$0x80];
	v4 =	vadd.f32 v4, v5  }
0x75: {  	v0 =	vadd.f32 v6, v0;
	v5 =	vld [tilespmem:s1+$0x100]  }
0x76: {  	[tilespmem:s1+$0x190] =	vst v4;
	v4 =	vld [tilespmem:s1+$0x1A0]  }
0x77: {  	[tilespmem:s1+$0xFFFFFF80] =	vst v0;
	v0 =	vadd.f32 v3, v2;
	v2 =	vld [tilespmem:s29+$0x1A0]  }
0x78: {  	v3 =	vld [tilespmem:s29+$0x100]  }
0x79: {  	v6 =	vld [tilespmem:s1+$0xFFFFFE00];
	[tilespmem:s1+$0x0] =	vst v0;
	v0 =	vadd.f32 v7, v1  }
0x7a: {  	v1 =	vld [tilespmem:s29+$0xFFFFFE90]  }
0x7b: {  	v7 =	vld [tilespmem:s29+$0xFFFFFF10];
	[tilespmem:s1+$0x80] =	vst v0  }
0x7c: {  	v0 =	vld [tilespmem:s29+$0xFFFFFF90];
	v2 =	vadd.f32 v2, v4  }
0x7d: {  	v4 =	vld [tilespmem:s29+$0x10];
	v3 =	vadd.f32 v3, v5  }
0x7e: {  	v5 =	vadd.f32 v8, v6;
	[tilespmem:s1+$0x1A0] =	vst v2;
	v2 =	vld [tilespmem:s1+$0x1B0]  }
0x7f: {  	[tilespmem:s1+$0x100] =	vst v3;
	v3 =	vld [tilespmem:s29+$0x1B0]  }
0x80: {  	[tilespmem:s1+$0xFFFFFE00] =	vst v5;
	v5 =	vld [tilespmem:s29+$0x90]  }
0x81: {  	v6 =	vld [tilespmem:s29+$0xFFFFFE10]  }
0x82: {  	v8 =	vld [tilespmem:s29+$0x110]  }
0x83: {  	v9 =	vld [tilespmem:s1+$0xFFFFFE10]  }
0x84: {  	v10 =	vld [tilespmem:s1+$0xFFFFFE90];
	v2 =	vadd.f32 v3, v2  }
0x85: {  	v3 =	vld [tilespmem:s1+$0xFFFFFF10]  }
0x86: {  	v11 =	vld [tilespmem:s1+$0xFFFFFF90];
	[tilespmem:s1+$0x1B0] =	vst v2  }
0x87: {  	v2 =	vld [tilespmem:s1+$0x10]  }
0x88: {  	v6 =	vadd.f32 v6, v9;
	v9 =	vld [tilespmem:s1+$0x90]  }
0x89: {  	v1 =	vadd.f32 v1, v10;
	v10 =	vld [tilespmem:s1+$0x110]  }
0x8a: {  	[tilespmem:s1+$0xFFFFFE10] =	vst v6;
	v6 =	vld [tilespmem:s1+$0xFFFFFE20];
	v3 =	vadd.f32 v7, v3  }
0x8b: {  	v7 =	vld [tilespmem:s29+$0xFFFFFE20];
	[tilespmem:s1+$0xFFFFFE90] =	vst v1;
	v0 =	vadd.f32 v0, v11  }
0x8c: {  	v1 =	vld [tilespmem:s29+$0xFFFFFEA0];
	[tilespmem:s1+$0xFFFFFF10] =	vst v3;
	v2 =	vadd.f32 v4, v2  }
0x8d: {  	v3 =	vld [tilespmem:s29+$0xFFFFFF20];
	[tilespmem:s1+$0xFFFFFF90] =	vst v0;
	v0 =	vadd.f32 v5, v9  }
0x8e: {  	v4 =	vld [tilespmem:s29+$0xFFFFFFA0];
	[tilespmem:s1+$0x10] =	vst v2;
	v2 =	vadd.f32 v8, v10  }
0x8f: {  	v5 =	vld [tilespmem:s29+$0x20];
	[tilespmem:s1+$0x90] =	vst v0  }
0x90: {  	v0 =	vadd.f32 v7, v6;
	v6 =	vld [tilespmem:s29+$0xA0];
	[tilespmem:s1+$0x110] =	vst v2  }
0x91: {  	v2 =	vld [tilespmem:s29+$0x120]  }
0x92: {  	[tilespmem:s1+$0xFFFFFE20] =	vst v0;
	v0 =	vld [tilespmem:s1+$0xFFFFFEA0]  }
0x93: {  	v7 =	vld [tilespmem:s1+$0xFFFFFF20]  }
0x94: {  	v8 =	vld [tilespmem:s1+$0xFFFFFFA0]  }
0x95: {  	v9 =	vld [tilespmem:s1+$0x20]  }
0x96: {  	v10 =	vld [tilespmem:s1+$0xA0]  }
0x97: {  	v0 =	vadd.f32 v1, v0;
	v11 =	vld [tilespmem:s1+$0x120]  }
0x98: {  	v12 =	vld [tilespmem:s29+$0xFFFFFE30];
	v1 =	vadd.f32 v3, v7  }
0x99: {  	v3 =	vld [tilespmem:s1+$0xFFFFFE30];
	[tilespmem:s1+$0xFFFFFEA0] =	vst v0;
	v0 =	vadd.f32 v4, v8  }
0x9a: {  	v13 =	vld [tilespmem:s29+$0xFFFFFEB0];
	[tilespmem:s1+$0xFFFFFF20] =	vst v1;
	v5 =	vadd.f32 v5, v9  }
0x9b: {  	v4 =	vld [tilespmem:s29+$0xFFFFFF30];
	[tilespmem:s1+$0xFFFFFFA0] =	vst v0;
	v0 =	vadd.f32 v6, v10  }
0x9c: {  	v1 =	vld [tilespmem:s29+$0xFFFFFFB0];
	[tilespmem:s1+$0x20] =	vst v5;
	v5 =	vadd.f32 v2, v11  }
0x9d: {  	v2 =	vld [tilespmem:s29+$0x30];
	[tilespmem:s1+$0xA0] =	vst v0  }
0x9e: {  	v6 =	vadd.f32 v12, v3;
	v3 =	vld [tilespmem:s29+$0xB0];
	[tilespmem:s1+$0x120] =	vst v5  }
0x9f: {  	v0 =	vld [tilespmem:s29+$0x130]  }
0xa0: {  	[tilespmem:s1+$0xFFFFFE30] =	vst v6;
	v6 =	vld [tilespmem:s1+$0xFFFFFEB0]  }
.Ltmp0:
0xa1: {  	v9 =	vld [tilespmem:s1+$0xFFFFFF30];
	(pc) =	sbr.rel @p0 .LBB2_2-.Ltmp0, $4  }
0xa2: {  	v8 =	vld [tilespmem:s1+$0xFFFFFFB0]  }
0xa3: {  	v7 =	vld [tilespmem:s1+$0x30]  }
0xa4: {  	v5 =	vld [tilespmem:s1+$0xB0]  }
0xa5: {  	s1 =	sadd.s32 $0x400, s1;
	v10 =	vadd.f32 v13, v6;
	v6 =	vld [tilespmem:s28+$0x130]  }
0xa6: {  	v4 =	vadd.f32 v4, v9  }
0xa7: {  	[tilespmem:s28+$0xFFFFFEB0] =	vst v10;
	v1 =	vadd.f32 v1, v8  }
0xa8: {  	[tilespmem:s28+$0xFFFFFF30] =	vst v4;
	v2 =	vadd.f32 v2, v7  }
0xa9: {  	[tilespmem:s28+$0xFFFFFFB0] =	vst v1;
	v63 =	vadd.f32 v3, v5  }
0xaa: {  	[tilespmem:s28+$0x30] =	vst v2;
	v0 =	vadd.f32 v0, v6  }
0xab: {  	[tilespmem:s28+$0xB0] =	vst v63  }
0xac: {  	[tilespmem:s28+$0x130] =	vst v0;
	s28 =	simm.s32 $0x0  }
0xad: {  	[hbm4b:s8+s28] =	stream.linear.scatter [tilespmem:s15], [sflag:$0x3], $0x6400, $0x38;
	[tilespmem:$0x19000] =	vst v63  }
.LBB2_4:
0xae: {  	_ =	swait.ge [sflag:s23], $0x6400;
	s30 =	smul.u32 $0x190, s28  }
0xaf: {  	[sflag:s23] =	ssyncset.done $0x0  }
0xb0: {  	[sflag:s23] =	ssyncadd.s32 $0xFFFF9C00;
	s29 =	sadd.s32 $0x190, s30  }
0xb1: {  	[tilespmem:s15], [sflag:$0x1] =	stream.indirect.gather [hbm4b:s3+s14], $0x80, s29, s14, $0xb8;
	[tilespmem:$0x19000] =	vst v63  }
0xb2: {  	s0 =	sadd.s32 $0x210, s30  }
0xb3: {  	[tilespmem:s17], [sflag:$0x1] =	stream.indirect.gather [hbm4b:s3+s16], $0x80, s0, s16, $0xb8;
	[tilespmem:$0x19000] =	vst v63  }
0xb4: {  	_ =	swait.ge [sflag:s24], $0x4000  }
0xb5: {  	[sflag:s24] =	ssyncset.done $0x0  }
0xb6: {  	[sflag:s24] =	ssyncadd.s32 $0xFFFFC000  }
0xb7: {  	_ =	swait.ge [sflag:s24], $0x2400  }
0xb8: {  	[sflag:s24] =	ssyncset.done $0x0  }
0xb9: {  	s31 =	simm.s32 $0xCA00;
	[sflag:s24] =	ssyncadd.s32 $0xFFFFDC00  }
0xba: {  	s0 =	simm.s32 $0x12E00;
	v0 =	vld [tilespmem:s31+$0x180]  }
0xbb: {  	v1 =	vld [tilespmem:s0+$0x180]  }
0xbc: {  	v2 =	vld [tilespmem:s0+$0xFFFFFE00]  }
0xbd: {  	v3 =	vld [tilespmem:s31+$0xFFFFFE80]  }
0xbe: {  	v4 =	vld [tilespmem:s31+$0xFFFFFF00]  }
0xbf: {  	v6 =	vld [tilespmem:s0+$0xFFFFFF00]  }
0xc0: {  	v7 =	vld [tilespmem:s31+$0xFFFFFF80]  }
0xc1: {  	v8 =	vld [tilespmem:s0+$0xFFFFFF80]  }
0xc2: {  	v9 =	vld [tilespmem:s31+$0x0]  }
0xc3: {  	v10 =	vld [tilespmem:s0+$0x0]  }
0xc4: {  	v11 =	vld [tilespmem:s0+$0x80]  }
0xc5: {  	v60 =	vld [tilespmem:s31+$0xFFFFFF90]  }
0xc6: {  	v13 =	vld [tilespmem:s31+$0x10]  }
0xc7: {  	v61 =	vld [tilespmem:s31+$0xFFFFFFA0]  }
0xc8: {  	v62 =	vld [tilespmem:s31+$0xA0];
	v0 =	vadd.f32 v1, v0  }
0xc9: {  	v1 =	vld [tilespmem:s0+$0xFFFFFE80]  }
0xca: {  	[tilespmem:s31+$0x180] =	vst v0;
	v0 =	vld [tilespmem:s31+$0x190]  }
0xcb: {  	v5 =	vld [tilespmem:s0+$0x190]  }
0xcc: {  	v63 =	vld [tilespmem:s31+$0xFFFFFE30];
	v4 =	vadd.f32 v6, v4  }
0xcd: {  	v6 =	vld [tilespmem:s0+$0x100]  }
0xce: {  	[tilespmem:s31+$0xFFFFFF00] =	vst v4;
	v4 =	vadd.f32 v10, v9;
	v10 =	vld [tilespmem:s31+$0xFFFFFE90];
	v1 =	vadd.f32 v1, v3  }
0xcf: {  	v3 =	vld [tilespmem:s31+$0x100]  }
0xd0: {  	[tilespmem:s31+$0xFFFFFE80] =	vst v1;
	v0 =	vadd.f32 v5, v0;
	v5 =	vld [tilespmem:s31+$0x80]  }
0xd1: {  	v1 =	vadd.f32 v8, v7;
	v8 =	vld [tilespmem:s0+$0xFFFFFE90]  }
0xd2: {  	[tilespmem:s31+$0x190] =	vst v0;
	v0 =	vld [tilespmem:s31+$0x1A0]  }
0xd3: {  	[tilespmem:s31+$0x0] =	vst v4;
	v12 =	vld [tilespmem:s0+$0x1A0]  }
0xd4: {  	v9 =	vld [tilespmem:s0+$0x10]  }
0xd5: {  	v7 =	vld [tilespmem:s31+$0xFFFFFE00]  }
0xd6: {  	[tilespmem:s31+$0xFFFFFF80] =	vst v1;
	v1 =	vld [tilespmem:s0+$0xFFFFFF10]  }
0xd7: {  	v4 =	vld [tilespmem:s0+$0xFFFFFF90];
	v8 =	vadd.f32 v8, v10  }
0xd8: {  	v5 =	vadd.f32 v11, v5;
	v11 =	vld [tilespmem:s31+$0xFFFFFF10];
	v0 =	vadd.f32 v12, v0  }
0xd9: {  	v10 =	vld [tilespmem:s31+$0x110];
	[tilespmem:s31+$0xFFFFFE90] =	vst v8  }
0xda: {  	v8 =	vld [tilespmem:s0+$0xFFFFFEA0];
	[tilespmem:s31+$0x1A0] =	vst v0;
	v0 =	vadd.f32 v2, v7  }
0xdb: {  	[tilespmem:s31+$0x80] =	vst v5;
	v7 =	vld [tilespmem:s31+$0x1B0];
	v2 =	vadd.f32 v6, v3  }
0xdc: {  	v5 =	vld [tilespmem:s0+$0x1B0];
	[tilespmem:s31+$0xFFFFFE00] =	vst v0  }
0xdd: {  	v1 =	vadd.f32 v1, v11;
	[tilespmem:s31+$0x100] =	vst v2;
	v2 =	vld [tilespmem:s31+$0xFFFFFE10]  }
0xde: {  	v3 =	vld [tilespmem:s0+$0xFFFFFE10]  }
0xdf: {  	[tilespmem:s31+$0xFFFFFF10] =	vst v1;
	v1 =	vadd.f32 v9, v13;
	v6 =	vld [tilespmem:s0+$0x110]  }
0xe0: {  	v4 =	vadd.f32 v4, v60;
	v0 =	vld [tilespmem:s0+$0x90]  }
0xe1: {  	v9 =	vld [tilespmem:s0+$0xFFFFFF20];
	[tilespmem:s31+$0x10] =	vst v1  }
0xe2: {  	[tilespmem:s31+$0xFFFFFF90] =	vst v4;
	v4 =	vld [tilespmem:s0+$0x20]  }
0xe3: {  	v2 =	vadd.f32 v3, v2;
	v3 =	vld [tilespmem:s31+$0x90]  }
0xe4: {  	v1 =	vadd.f32 v6, v10;
	v10 =	vld [tilespmem:s31+$0xFFFFFF20]  }
0xe5: {  	[tilespmem:s31+$0xFFFFFE10] =	vst v2;
	v2 =	vld [tilespmem:s31+$0xFFFFFE20]  }
0xe6: {  	v11 =	vld [tilespmem:s0+$0xFFFFFE20]  }
0xe7: {  	v5 =	vadd.f32 v5, v7;
	[tilespmem:s31+$0x110] =	vst v1;
	v1 =	vld [tilespmem:s31+$0xFFFFFEA0]  }
0xe8: {  	v7 =	vld [tilespmem:s31+$0x30]  }
0xe9: {  	[tilespmem:s31+$0x1B0] =	vst v5;
	v5 =	vld [tilespmem:s31+$0xB0]  }
0xea: {  	v6 =	vld [tilespmem:s0+$0x120]  }
0xeb: {  	v0 =	vadd.f32 v0, v3;
	v3 =	vld [tilespmem:s0+$0xFFFFFFA0];
	v2 =	vadd.f32 v11, v2  }
0xec: {  	v1 =	vadd.f32 v8, v1;
	v8 =	vadd.f32 v9, v10;
	v9 =	vld [tilespmem:s31+$0xFFFFFF30]  }
0xed: {  	[tilespmem:s31+$0xFFFFFE20] =	vst v2;
	v2 =	vld [tilespmem:s31+$0x120]  }
0xee: {  	[tilespmem:s31+$0x90] =	vst v0;
	v11 =	vld [tilespmem:s31+$0x20]  }
0xef: {  	v0 =	vld [tilespmem:s0+$0xA0];
	[tilespmem:s31+$0xFFFFFEA0] =	vst v1  }
0xf0: {  	[tilespmem:s31+$0xFFFFFF20] =	vst v8;
	v8 =	vld [tilespmem:s31+$0xFFFFFFB0]  }
0xf1: {  	v1 =	vadd.f32 v3, v61;
	v14 =	vld [tilespmem:s0+$0xFFFFFEB0]  }
0xf2: {  	v10 =	vld [tilespmem:s0+$0xFFFFFE30];
	v6 =	vadd.f32 v6, v2  }
0xf3: {  	[tilespmem:s31+$0xFFFFFFA0] =	vst v1;
	v3 =	vadd.f32 v4, v11;
	v4 =	vld [tilespmem:s0+$0xFFFFFF30]  }
0xf4: {  	v0 =	vadd.f32 v0, v62;
	[tilespmem:s31+$0x120] =	vst v6;
	v6 =	vld [tilespmem:s31+$0xFFFFFEB0]  }
0xf5: {  	v1 =	vld [tilespmem:s0+$0xFFFFFFB0];
	[tilespmem:s31+$0x20] =	vst v3  }
0xf6: {  	[tilespmem:s31+$0xA0] =	vst v0;
	v2 =	vld [tilespmem:s0+$0x30]  }
0xf7: {  	v3 =	vld [tilespmem:s0+$0xB0];
	v10 =	vadd.f32 v10, v63  }
0xf8: {  	v0 =	vld [tilespmem:s0+$0x130]  }
0xf9: {  	s1 =	simm.s32 $0x0;
	s12 =	simm.s32 $0xCE00;
	[tilespmem:s31+$0xFFFFFE30] =	vst v10;
	v10 =	vadd.f32 v14, v6;
	v6 =	vld [tilespmem:s31+$0x130]  }
.LBB2_5:
0xfa: {  	v11 =	vld [tilespmem:s12+$0x180];
	v4 =	vadd.f32 v4, v9;
	s0 =	sadd.s32 $0x400, s0  }
0xfb: {  	s1 =	sadd.s32 $0x8, s1;
	v9 =	vld [tilespmem:s0+$0x180];
	[tilespmem:s31+$0xFFFFFEB0] =	vst v10;
	v1 =	vadd.f32 v1, v8  }
0xfc: {  	p0 =	slt.u32 s1, $0xC0;
	v8 =	vld [tilespmem:s0+$0xFFFFFE00];
	[tilespmem:s31+$0xFFFFFF30] =	vst v4;
	v2 =	vadd.f32 v2, v7  }
0xfd: {  	v4 =	vld [tilespmem:s12+$0xFFFFFE80];
	[tilespmem:s31+$0xFFFFFFB0] =	vst v1;
	v1 =	vadd.f32 v3, v5  }
0xfe: {  	v3 =	vld [tilespmem:s0+$0xFFFFFE80];
	[tilespmem:s31+$0x30] =	vst v2;
	v0 =	vadd.f32 v0, v6  }
0xff: {  	v2 =	vld [tilespmem:s12+$0xFFFFFF00];
	[tilespmem:s31+$0xB0] =	vst v1  }
0x100: {  	v1 =	vld [tilespmem:s0+$0xFFFFFF00];
	v5 =	vadd.f32 v9, v11;
	[tilespmem:s31+$0x130] =	vst v0;
	s31 =	smov.u32 s12  }
0x101: {  	v0 =	vld [tilespmem:s12+$0xFFFFFF80]  }
0x102: {  	[tilespmem:s12+$0x180] =	vst v5;
	v5 =	vld [tilespmem:s12+$0x190]  }
0x103: {  	v3 =	vadd.f32 v3, v4;
	v4 =	vld [tilespmem:s0+$0x190]  }
0x104: {  	v6 =	vld [tilespmem:s0+$0xFFFFFF80]  }
0x105: {  	[tilespmem:s12+$0xFFFFFE80] =	vst v3;
	v1 =	vadd.f32 v1, v2;
	v2 =	vld [tilespmem:s12+$0x0]  }
0x106: {  	v3 =	vld [tilespmem:s0+$0x0]  }
0x107: {  	[tilespmem:s12+$0xFFFFFF00] =	vst v1;
	v1 =	vld [tilespmem:s12+$0x80]  }
0x108: {  	v7 =	vld [tilespmem:s0+$0x80];
	v4 =	vadd.f32 v4, v5  }
0x109: {  	v0 =	vadd.f32 v6, v0;
	v5 =	vld [tilespmem:s12+$0x100]  }
0x10a: {  	[tilespmem:s12+$0x190] =	vst v4;
	v4 =	vld [tilespmem:s12+$0x1A0]  }
0x10b: {  	[tilespmem:s12+$0xFFFFFF80] =	vst v0;
	v0 =	vadd.f32 v3, v2;
	v2 =	vld [tilespmem:s0+$0x1A0]  }
0x10c: {  	v3 =	vld [tilespmem:s0+$0x100]  }
0x10d: {  	v6 =	vld [tilespmem:s12+$0xFFFFFE00];
	[tilespmem:s12+$0x0] =	vst v0;
	v0 =	vadd.f32 v7, v1  }
0x10e: {  	v1 =	vld [tilespmem:s0+$0xFFFFFE90]  }
0x10f: {  	v7 =	vld [tilespmem:s0+$0xFFFFFF10];
	[tilespmem:s12+$0x80] =	vst v0  }
0x110: {  	v0 =	vld [tilespmem:s0+$0xFFFFFF90];
	v2 =	vadd.f32 v2, v4  }
0x111: {  	v4 =	vld [tilespmem:s0+$0x10];
	v3 =	vadd.f32 v3, v5  }
0x112: {  	v5 =	vadd.f32 v8, v6;
	[tilespmem:s12+$0x1A0] =	vst v2;
	v2 =	vld [tilespmem:s12+$0x1B0]  }
0x113: {  	[tilespmem:s12+$0x100] =	vst v3;
	v3 =	vld [tilespmem:s0+$0x1B0]  }
0x114: {  	[tilespmem:s12+$0xFFFFFE00] =	vst v5;
	v5 =	vld [tilespmem:s0+$0x90]  }
0x115: {  	v6 =	vld [tilespmem:s0+$0xFFFFFE10]  }
0x116: {  	v8 =	vld [tilespmem:s0+$0x110]  }
0x117: {  	v9 =	vld [tilespmem:s12+$0xFFFFFE10]  }
0x118: {  	v10 =	vld [tilespmem:s12+$0xFFFFFE90];
	v2 =	vadd.f32 v3, v2  }
0x119: {  	v3 =	vld [tilespmem:s12+$0xFFFFFF10]  }
0x11a: {  	v11 =	vld [tilespmem:s12+$0xFFFFFF90];
	[tilespmem:s12+$0x1B0] =	vst v2  }
0x11b: {  	v2 =	vld [tilespmem:s12+$0x10]  }
0x11c: {  	v6 =	vadd.f32 v6, v9;
	v9 =	vld [tilespmem:s12+$0x90]  }
0x11d: {  	v1 =	vadd.f32 v1, v10;
	v10 =	vld [tilespmem:s12+$0x110]  }
0x11e: {  	[tilespmem:s12+$0xFFFFFE10] =	vst v6;
	v6 =	vld [tilespmem:s12+$0xFFFFFE20];
	v3 =	vadd.f32 v7, v3  }
0x11f: {  	v7 =	vld [tilespmem:s0+$0xFFFFFE20];
	[tilespmem:s12+$0xFFFFFE90] =	vst v1;
	v0 =	vadd.f32 v0, v11  }
0x120: {  	v1 =	vld [tilespmem:s0+$0xFFFFFEA0];
	[tilespmem:s12+$0xFFFFFF10] =	vst v3;
	v2 =	vadd.f32 v4, v2  }
0x121: {  	v3 =	vld [tilespmem:s0+$0xFFFFFF20];
	[tilespmem:s12+$0xFFFFFF90] =	vst v0;
	v0 =	vadd.f32 v5, v9  }
0x122: {  	v4 =	vld [tilespmem:s0+$0xFFFFFFA0];
	[tilespmem:s12+$0x10] =	vst v2;
	v2 =	vadd.f32 v8, v10  }
0x123: {  	v5 =	vld [tilespmem:s0+$0x20];
	[tilespmem:s12+$0x90] =	vst v0  }
0x124: {  	v0 =	vadd.f32 v7, v6;
	v6 =	vld [tilespmem:s0+$0xA0];
	[tilespmem:s12+$0x110] =	vst v2  }
0x125: {  	v2 =	vld [tilespmem:s0+$0x120]  }
0x126: {  	[tilespmem:s12+$0xFFFFFE20] =	vst v0;
	v0 =	vld [tilespmem:s12+$0xFFFFFEA0]  }
0x127: {  	v7 =	vld [tilespmem:s12+$0xFFFFFF20]  }
0x128: {  	v8 =	vld [tilespmem:s12+$0xFFFFFFA0]  }
0x129: {  	v9 =	vld [tilespmem:s12+$0x20]  }
0x12a: {  	v10 =	vld [tilespmem:s12+$0xA0]  }
0x12b: {  	v0 =	vadd.f32 v1, v0;
	v11 =	vld [tilespmem:s12+$0x120]  }
0x12c: {  	v12 =	vld [tilespmem:s0+$0xFFFFFE30];
	v1 =	vadd.f32 v3, v7  }
0x12d: {  	v3 =	vld [tilespmem:s12+$0xFFFFFE30];
	[tilespmem:s12+$0xFFFFFEA0] =	vst v0;
	v0 =	vadd.f32 v4, v8  }
0x12e: {  	v13 =	vld [tilespmem:s0+$0xFFFFFEB0];
	[tilespmem:s12+$0xFFFFFF20] =	vst v1;
	v5 =	vadd.f32 v5, v9  }
0x12f: {  	v4 =	vld [tilespmem:s0+$0xFFFFFF30];
	[tilespmem:s12+$0xFFFFFFA0] =	vst v0;
	v0 =	vadd.f32 v6, v10  }
0x130: {  	v1 =	vld [tilespmem:s0+$0xFFFFFFB0];
	[tilespmem:s12+$0x20] =	vst v5;
	v5 =	vadd.f32 v2, v11  }
0x131: {  	v2 =	vld [tilespmem:s0+$0x30];
	[tilespmem:s12+$0xA0] =	vst v0  }
0x132: {  	v6 =	vadd.f32 v12, v3;
	v3 =	vld [tilespmem:s0+$0xB0];
	[tilespmem:s12+$0x120] =	vst v5  }
0x133: {  	v0 =	vld [tilespmem:s0+$0x130]  }
0x134: {  	[tilespmem:s12+$0xFFFFFE30] =	vst v6;
	v6 =	vld [tilespmem:s12+$0xFFFFFEB0]  }
.Ltmp1:
0x135: {  	v9 =	vld [tilespmem:s12+$0xFFFFFF30];
	(pc) =	sbr.rel @p0 .LBB2_5-.Ltmp1, $4  }
0x136: {  	v8 =	vld [tilespmem:s12+$0xFFFFFFB0]  }
0x137: {  	v7 =	vld [tilespmem:s12+$0x30]  }
0x138: {  	v5 =	vld [tilespmem:s12+$0xB0]  }
0x139: {  	s12 =	sadd.s32 $0x400, s12;
	v10 =	vadd.f32 v13, v6;
	v6 =	vld [tilespmem:s31+$0x130]  }
0x13a: {  	v4 =	vadd.f32 v4, v9  }
0x13b: {  	[tilespmem:s31+$0xFFFFFEB0] =	vst v10;
	v1 =	vadd.f32 v1, v8  }
0x13c: {  	[tilespmem:s31+$0xFFFFFF30] =	vst v4;
	v2 =	vadd.f32 v2, v7  }
0x13d: {  	[tilespmem:s31+$0xFFFFFFB0] =	vst v1;
	v1 =	vadd.f32 v3, v5  }
0x13e: {  	s0 =	sadd.s32 s30, s9;
	[tilespmem:s31+$0x30] =	vst v2;
	v0 =	vadd.f32 v0, v6  }
0x13f: {  	s0 =	sshll.u32 s0, $0x4;
	[tilespmem:s31+$0xB0] =	vst v1  }
0x140: {  	s0 =	sadd.s32 s6, s0;
	[tilespmem:s31+$0x130] =	vst v0  }
0x141: {  	[hbm4b:s0+s2] =	stream.linear.scatter [tilespmem:s19], [sflag:$0x4], $0x6400, $0x38;
	[tilespmem:$0x19000] =	vst v63  }
0x142: {  	_ =	swait.ge [sflag:s25], $0x6400  }
0x143: {  	[sflag:s25] =	ssyncset.done $0x0  }
0x144: {  	s12 =	sadd.s32 $0x258, s30;
	[sflag:s25] =	ssyncadd.s32 $0xFFFF9C00  }
0x145: {  	[tilespmem:s19], [sflag:$0x2] =	stream.indirect.gather [hbm4b:s3+s14], $0x80, s12, s14, $0xb8;
	[tilespmem:$0x19000] =	vst v63  }
0x146: {  	s31 =	sadd.s32 $0x2D8, s30  }
0x147: {  	[tilespmem:s21], [sflag:$0x2] =	stream.indirect.gather [hbm4b:s3+s16], $0x80, s31, s16, $0xb8;
	[tilespmem:$0x19000] =	vst v63  }
0x148: {  	_ =	swait.ge [sflag:s22], $0x4000  }
0x149: {  	[sflag:s22] =	ssyncset.done $0x0  }
0x14a: {  	[sflag:s22] =	ssyncadd.s32 $0xFFFFC000  }
0x14b: {  	_ =	swait.ge [sflag:s22], $0x2400  }
0x14c: {  	[sflag:s22] =	ssyncset.done $0x0  }
0x14d: {  	s30 =	simm.s32 $0x6600;
	[sflag:s22] =	ssyncadd.s32 $0xFFFFDC00  }
0x14e: {  	s0 =	simm.s32 $0x12E00;
	v0 =	vld [tilespmem:s30+$0x180]  }
0x14f: {  	v1 =	vld [tilespmem:s0+$0x180]  }
0x150: {  	v2 =	vld [tilespmem:s0+$0xFFFFFE00]  }
0x151: {  	v3 =	vld [tilespmem:s30+$0xFFFFFE80]  }
0x152: {  	v4 =	vld [tilespmem:s30+$0xFFFFFF00]  }
0x153: {  	v6 =	vld [tilespmem:s0+$0xFFFFFF00]  }
0x154: {  	v7 =	vld [tilespmem:s30+$0xFFFFFF80]  }
0x155: {  	v8 =	vld [tilespmem:s0+$0xFFFFFF80]  }
0x156: {  	v9 =	vld [tilespmem:s30+$0x0]  }
0x157: {  	v10 =	vld [tilespmem:s0+$0x0]  }
0x158: {  	v11 =	vld [tilespmem:s0+$0x80]  }
0x159: {  	v60 =	vld [tilespmem:s30+$0xFFFFFF90]  }
0x15a: {  	v13 =	vld [tilespmem:s30+$0x10]  }
0x15b: {  	v61 =	vld [tilespmem:s30+$0xFFFFFFA0]  }
0x15c: {  	v62 =	vld [tilespmem:s30+$0xA0];
	v0 =	vadd.f32 v1, v0  }
0x15d: {  	v1 =	vld [tilespmem:s0+$0xFFFFFE80]  }
0x15e: {  	[tilespmem:s30+$0x180] =	vst v0;
	v0 =	vld [tilespmem:s30+$0x190]  }
0x15f: {  	v5 =	vld [tilespmem:s0+$0x190]  }
0x160: {  	v63 =	vld [tilespmem:s30+$0xFFFFFE30];
	v4 =	vadd.f32 v6, v4  }
0x161: {  	v6 =	vld [tilespmem:s0+$0x100]  }
0x162: {  	[tilespmem:s30+$0xFFFFFF00] =	vst v4;
	v4 =	vadd.f32 v10, v9;
	v10 =	vld [tilespmem:s30+$0xFFFFFE90];
	v1 =	vadd.f32 v1, v3  }
0x163: {  	v3 =	vld [tilespmem:s30+$0x100]  }
0x164: {  	[tilespmem:s30+$0xFFFFFE80] =	vst v1;
	v0 =	vadd.f32 v5, v0;
	v5 =	vld [tilespmem:s30+$0x80]  }
0x165: {  	v1 =	vadd.f32 v8, v7;
	v8 =	vld [tilespmem:s0+$0xFFFFFE90]  }
0x166: {  	[tilespmem:s30+$0x190] =	vst v0;
	v0 =	vld [tilespmem:s30+$0x1A0]  }
0x167: {  	[tilespmem:s30+$0x0] =	vst v4;
	v12 =	vld [tilespmem:s0+$0x1A0]  }
0x168: {  	v9 =	vld [tilespmem:s0+$0x10]  }
0x169: {  	v7 =	vld [tilespmem:s30+$0xFFFFFE00]  }
0x16a: {  	[tilespmem:s30+$0xFFFFFF80] =	vst v1;
	v1 =	vld [tilespmem:s0+$0xFFFFFF10]  }
0x16b: {  	v4 =	vld [tilespmem:s0+$0xFFFFFF90];
	v8 =	vadd.f32 v8, v10  }
0x16c: {  	v5 =	vadd.f32 v11, v5;
	v11 =	vld [tilespmem:s30+$0xFFFFFF10];
	v0 =	vadd.f32 v12, v0  }
0x16d: {  	v10 =	vld [tilespmem:s30+$0x110];
	[tilespmem:s30+$0xFFFFFE90] =	vst v8  }
0x16e: {  	v8 =	vld [tilespmem:s0+$0xFFFFFEA0];
	[tilespmem:s30+$0x1A0] =	vst v0;
	v0 =	vadd.f32 v2, v7  }
0x16f: {  	[tilespmem:s30+$0x80] =	vst v5;
	v7 =	vld [tilespmem:s30+$0x1B0];
	v2 =	vadd.f32 v6, v3  }
0x170: {  	v5 =	vld [tilespmem:s0+$0x1B0];
	[tilespmem:s30+$0xFFFFFE00] =	vst v0  }
0x171: {  	v1 =	vadd.f32 v1, v11;
	[tilespmem:s30+$0x100] =	vst v2;
	v2 =	vld [tilespmem:s30+$0xFFFFFE10]  }
0x172: {  	v3 =	vld [tilespmem:s0+$0xFFFFFE10]  }
0x173: {  	[tilespmem:s30+$0xFFFFFF10] =	vst v1;
	v1 =	vadd.f32 v9, v13;
	v6 =	vld [tilespmem:s0+$0x110]  }
0x174: {  	v4 =	vadd.f32 v4, v60;
	v0 =	vld [tilespmem:s0+$0x90]  }
0x175: {  	v9 =	vld [tilespmem:s0+$0xFFFFFF20];
	[tilespmem:s30+$0x10] =	vst v1  }
0x176: {  	[tilespmem:s30+$0xFFFFFF90] =	vst v4;
	v4 =	vld [tilespmem:s0+$0x20]  }
0x177: {  	v2 =	vadd.f32 v3, v2;
	v3 =	vld [tilespmem:s30+$0x90]  }
0x178: {  	v1 =	vadd.f32 v6, v10;
	v10 =	vld [tilespmem:s30+$0xFFFFFF20]  }
0x179: {  	[tilespmem:s30+$0xFFFFFE10] =	vst v2;
	v2 =	vld [tilespmem:s30+$0xFFFFFE20]  }
0x17a: {  	v11 =	vld [tilespmem:s0+$0xFFFFFE20]  }
0x17b: {  	v5 =	vadd.f32 v5, v7;
	[tilespmem:s30+$0x110] =	vst v1;
	v1 =	vld [tilespmem:s30+$0xFFFFFEA0]  }
0x17c: {  	v7 =	vld [tilespmem:s30+$0x30]  }
0x17d: {  	[tilespmem:s30+$0x1B0] =	vst v5;
	v5 =	vld [tilespmem:s30+$0xB0]  }
0x17e: {  	v6 =	vld [tilespmem:s0+$0x120]  }
0x17f: {  	v0 =	vadd.f32 v0, v3;
	v3 =	vld [tilespmem:s0+$0xFFFFFFA0];
	v2 =	vadd.f32 v11, v2  }
0x180: {  	v1 =	vadd.f32 v8, v1;
	v8 =	vadd.f32 v9, v10;
	v9 =	vld [tilespmem:s30+$0xFFFFFF30]  }
0x181: {  	[tilespmem:s30+$0xFFFFFE20] =	vst v2;
	v2 =	vld [tilespmem:s30+$0x120]  }
0x182: {  	[tilespmem:s30+$0x90] =	vst v0;
	v11 =	vld [tilespmem:s30+$0x20]  }
0x183: {  	v0 =	vld [tilespmem:s0+$0xA0];
	[tilespmem:s30+$0xFFFFFEA0] =	vst v1  }
0x184: {  	[tilespmem:s30+$0xFFFFFF20] =	vst v8;
	v8 =	vld [tilespmem:s30+$0xFFFFFFB0]  }
0x185: {  	v1 =	vadd.f32 v3, v61;
	v14 =	vld [tilespmem:s0+$0xFFFFFEB0]  }
0x186: {  	v10 =	vld [tilespmem:s0+$0xFFFFFE30];
	v6 =	vadd.f32 v6, v2  }
0x187: {  	[tilespmem:s30+$0xFFFFFFA0] =	vst v1;
	v3 =	vadd.f32 v4, v11;
	v4 =	vld [tilespmem:s0+$0xFFFFFF30]  }
0x188: {  	v0 =	vadd.f32 v0, v62;
	[tilespmem:s30+$0x120] =	vst v6;
	v6 =	vld [tilespmem:s30+$0xFFFFFEB0]  }
0x189: {  	v1 =	vld [tilespmem:s0+$0xFFFFFFB0];
	[tilespmem:s30+$0x20] =	vst v3  }
0x18a: {  	[tilespmem:s30+$0xA0] =	vst v0;
	v2 =	vld [tilespmem:s0+$0x30]  }
0x18b: {  	v3 =	vld [tilespmem:s0+$0xB0];
	v10 =	vadd.f32 v10, v63  }
0x18c: {  	v0 =	vld [tilespmem:s0+$0x130]  }
0x18d: {  	s1 =	simm.s32 $0x0;
	s12 =	simm.s32 $0x6A00;
	[tilespmem:s30+$0xFFFFFE30] =	vst v10;
	v10 =	vadd.f32 v14, v6;
	v6 =	vld [tilespmem:s30+$0x130]  }
.LBB2_7:
0x18e: {  	v11 =	vld [tilespmem:s12+$0x180];
	v4 =	vadd.f32 v4, v9;
	s0 =	sadd.s32 $0x400, s0  }
0x18f: {  	s1 =	sadd.s32 $0x8, s1;
	v9 =	vld [tilespmem:s0+$0x180];
	[tilespmem:s30+$0xFFFFFEB0] =	vst v10;
	v1 =	vadd.f32 v1, v8  }
0x190: {  	p0 =	slt.u32 s1, $0xC0;
	v8 =	vld [tilespmem:s0+$0xFFFFFE00];
	[tilespmem:s30+$0xFFFFFF30] =	vst v4;
	v2 =	vadd.f32 v2, v7  }
0x191: {  	v4 =	vld [tilespmem:s12+$0xFFFFFE80];
	[tilespmem:s30+$0xFFFFFFB0] =	vst v1;
	v1 =	vadd.f32 v3, v5  }
0x192: {  	v3 =	vld [tilespmem:s0+$0xFFFFFE80];
	[tilespmem:s30+$0x30] =	vst v2;
	v0 =	vadd.f32 v0, v6  }
0x193: {  	v2 =	vld [tilespmem:s12+$0xFFFFFF00];
	[tilespmem:s30+$0xB0] =	vst v1  }
0x194: {  	v1 =	vld [tilespmem:s0+$0xFFFFFF00];
	v5 =	vadd.f32 v9, v11;
	[tilespmem:s30+$0x130] =	vst v0;
	s30 =	smov.u32 s12  }
0x195: {  	v0 =	vld [tilespmem:s12+$0xFFFFFF80]  }
0x196: {  	[tilespmem:s12+$0x180] =	vst v5;
	v5 =	vld [tilespmem:s12+$0x190]  }
0x197: {  	v3 =	vadd.f32 v3, v4;
	v4 =	vld [tilespmem:s0+$0x190]  }
0x198: {  	v6 =	vld [tilespmem:s0+$0xFFFFFF80]  }
0x199: {  	[tilespmem:s12+$0xFFFFFE80] =	vst v3;
	v1 =	vadd.f32 v1, v2;
	v2 =	vld [tilespmem:s12+$0x0]  }
0x19a: {  	v3 =	vld [tilespmem:s0+$0x0]  }
0x19b: {  	[tilespmem:s12+$0xFFFFFF00] =	vst v1;
	v1 =	vld [tilespmem:s12+$0x80]  }
0x19c: {  	v7 =	vld [tilespmem:s0+$0x80];
	v4 =	vadd.f32 v4, v5  }
0x19d: {  	v0 =	vadd.f32 v6, v0;
	v5 =	vld [tilespmem:s12+$0x100]  }
0x19e: {  	[tilespmem:s12+$0x190] =	vst v4;
	v4 =	vld [tilespmem:s12+$0x1A0]  }
0x19f: {  	[tilespmem:s12+$0xFFFFFF80] =	vst v0;
	v0 =	vadd.f32 v3, v2;
	v2 =	vld [tilespmem:s0+$0x1A0]  }
0x1a0: {  	v3 =	vld [tilespmem:s0+$0x100]  }
0x1a1: {  	v6 =	vld [tilespmem:s12+$0xFFFFFE00];
	[tilespmem:s12+$0x0] =	vst v0;
	v0 =	vadd.f32 v7, v1  }
0x1a2: {  	v1 =	vld [tilespmem:s0+$0xFFFFFE90]  }
0x1a3: {  	v7 =	vld [tilespmem:s0+$0xFFFFFF10];
	[tilespmem:s12+$0x80] =	vst v0  }
0x1a4: {  	v0 =	vld [tilespmem:s0+$0xFFFFFF90];
	v2 =	vadd.f32 v2, v4  }
0x1a5: {  	v4 =	vld [tilespmem:s0+$0x10];
	v3 =	vadd.f32 v3, v5  }
0x1a6: {  	v5 =	vadd.f32 v8, v6;
	[tilespmem:s12+$0x1A0] =	vst v2;
	v2 =	vld [tilespmem:s12+$0x1B0]  }
0x1a7: {  	[tilespmem:s12+$0x100] =	vst v3;
	v3 =	vld [tilespmem:s0+$0x1B0]  }
0x1a8: {  	[tilespmem:s12+$0xFFFFFE00] =	vst v5;
	v5 =	vld [tilespmem:s0+$0x90]  }
0x1a9: {  	v6 =	vld [tilespmem:s0+$0xFFFFFE10]  }
0x1aa: {  	v8 =	vld [tilespmem:s0+$0x110]  }
0x1ab: {  	v9 =	vld [tilespmem:s12+$0xFFFFFE10]  }
0x1ac: {  	v10 =	vld [tilespmem:s12+$0xFFFFFE90];
	v2 =	vadd.f32 v3, v2  }
0x1ad: {  	v3 =	vld [tilespmem:s12+$0xFFFFFF10]  }
0x1ae: {  	v11 =	vld [tilespmem:s12+$0xFFFFFF90];
	[tilespmem:s12+$0x1B0] =	vst v2  }
0x1af: {  	v2 =	vld [tilespmem:s12+$0x10]  }
0x1b0: {  	v6 =	vadd.f32 v6, v9;
	v9 =	vld [tilespmem:s12+$0x90]  }
0x1b1: {  	v1 =	vadd.f32 v1, v10;
	v10 =	vld [tilespmem:s12+$0x110]  }
0x1b2: {  	[tilespmem:s12+$0xFFFFFE10] =	vst v6;
	v6 =	vld [tilespmem:s12+$0xFFFFFE20];
	v3 =	vadd.f32 v7, v3  }
0x1b3: {  	v7 =	vld [tilespmem:s0+$0xFFFFFE20];
	[tilespmem:s12+$0xFFFFFE90] =	vst v1;
	v0 =	vadd.f32 v0, v11  }
0x1b4: {  	v1 =	vld [tilespmem:s0+$0xFFFFFEA0];
	[tilespmem:s12+$0xFFFFFF10] =	vst v3;
	v2 =	vadd.f32 v4, v2  }
0x1b5: {  	v3 =	vld [tilespmem:s0+$0xFFFFFF20];
	[tilespmem:s12+$0xFFFFFF90] =	vst v0;
	v0 =	vadd.f32 v5, v9  }
0x1b6: {  	v4 =	vld [tilespmem:s0+$0xFFFFFFA0];
	[tilespmem:s12+$0x10] =	vst v2;
	v2 =	vadd.f32 v8, v10  }
0x1b7: {  	v5 =	vld [tilespmem:s0+$0x20];
	[tilespmem:s12+$0x90] =	vst v0  }
0x1b8: {  	v0 =	vadd.f32 v7, v6;
	v6 =	vld [tilespmem:s0+$0xA0];
	[tilespmem:s12+$0x110] =	vst v2  }
0x1b9: {  	v2 =	vld [tilespmem:s0+$0x120]  }
0x1ba: {  	[tilespmem:s12+$0xFFFFFE20] =	vst v0;
	v0 =	vld [tilespmem:s12+$0xFFFFFEA0]  }
0x1bb: {  	v7 =	vld [tilespmem:s12+$0xFFFFFF20]  }
0x1bc: {  	v8 =	vld [tilespmem:s12+$0xFFFFFFA0]  }
0x1bd: {  	v9 =	vld [tilespmem:s12+$0x20]  }
0x1be: {  	v10 =	vld [tilespmem:s12+$0xA0]  }
0x1bf: {  	v0 =	vadd.f32 v1, v0;
	v11 =	vld [tilespmem:s12+$0x120]  }
0x1c0: {  	v12 =	vld [tilespmem:s0+$0xFFFFFE30];
	v1 =	vadd.f32 v3, v7  }
0x1c1: {  	v3 =	vld [tilespmem:s12+$0xFFFFFE30];
	[tilespmem:s12+$0xFFFFFEA0] =	vst v0;
	v0 =	vadd.f32 v4, v8  }
0x1c2: {  	v13 =	vld [tilespmem:s0+$0xFFFFFEB0];
	[tilespmem:s12+$0xFFFFFF20] =	vst v1;
	v5 =	vadd.f32 v5, v9  }
0x1c3: {  	v4 =	vld [tilespmem:s0+$0xFFFFFF30];
	[tilespmem:s12+$0xFFFFFFA0] =	vst v0;
	v0 =	vadd.f32 v6, v10  }
0x1c4: {  	v1 =	vld [tilespmem:s0+$0xFFFFFFB0];
	[tilespmem:s12+$0x20] =	vst v5;
	v5 =	vadd.f32 v2, v11  }
0x1c5: {  	v2 =	vld [tilespmem:s0+$0x30];
	[tilespmem:s12+$0xA0] =	vst v0  }
0x1c6: {  	v6 =	vadd.f32 v12, v3;
	v3 =	vld [tilespmem:s0+$0xB0];
	[tilespmem:s12+$0x120] =	vst v5  }
0x1c7: {  	v0 =	vld [tilespmem:s0+$0x130]  }
0x1c8: {  	[tilespmem:s12+$0xFFFFFE30] =	vst v6;
	v6 =	vld [tilespmem:s12+$0xFFFFFEB0]  }
.Ltmp2:
0x1c9: {  	v9 =	vld [tilespmem:s12+$0xFFFFFF30];
	(pc) =	sbr.rel @p0 .LBB2_7-.Ltmp2, $4  }
0x1ca: {  	v8 =	vld [tilespmem:s12+$0xFFFFFFB0]  }
0x1cb: {  	v7 =	vld [tilespmem:s12+$0x30]  }
0x1cc: {  	v5 =	vld [tilespmem:s12+$0xB0]  }
0x1cd: {  	s12 =	sadd.s32 $0x400, s12;
	v10 =	vadd.f32 v13, v6;
	v6 =	vld [tilespmem:s30+$0x130]  }
0x1ce: {  	v4 =	vadd.f32 v4, v9  }
0x1cf: {  	s28 =	sadd.s32 $0x1, s28;
	[tilespmem:s30+$0xFFFFFEB0] =	vst v10;
	v1 =	vadd.f32 v1, v8  }
0x1d0: {  	p0 =	sne.s32 s28, $0x3F;
	[tilespmem:s30+$0xFFFFFF30] =	vst v4;
	v2 =	vadd.f32 v2, v7  }
.Ltmp3:
0x1d1: {  	[tilespmem:s30+$0xFFFFFFB0] =	vst v1;
	v63 =	vadd.f32 v3, v5;
	(pc) =	sbr.rel @p0 .LBB2_4-.Ltmp3, $4  }
0x1d2: {  	s0 =	sadd.s32 s4, s29;
	[tilespmem:s30+$0x30] =	vst v2;
	v0 =	vadd.f32 v0, v6  }
0x1d3: {  	s0 =	sshll.u32 s0, $0x4;
	[tilespmem:s30+$0xB0] =	vst v63  }
0x1d4: {  	s0 =	sadd.s32 s6, s0;
	[tilespmem:s30+$0x130] =	vst v0  }
0x1d5: {  	[hbm4b:s0+s2] =	stream.linear.scatter [tilespmem:s15], [sflag:$0x3], $0x6400, $0x38;
	[tilespmem:$0x19000] =	vst v63  }
0x1d6: {  	_ =	swait.ge [sflag:s23], $0x6400  }
0x1d7: {  	[sflag:s23] =	ssyncset.done $0x0  }
0x1d8: {  	[sflag:s23] =	ssyncadd.s32 $0xFFFF9C00  }
0x1d9: {  	_ =	swait.ge [sflag:s24], $0x4000  }
0x1da: {  	[sflag:s24] =	ssyncset.done $0x0  }
0x1db: {  	[sflag:s24] =	ssyncadd.s32 $0xFFFFC000  }
0x1dc: {  	_ =	swait.ge [sflag:s24], $0x2400  }
0x1dd: {  	[sflag:s24] =	ssyncset.done $0x0  }
0x1de: {  	s28 =	simm.s32 $0xCA00;
	[sflag:s24] =	ssyncadd.s32 $0xFFFFDC00  }
0x1df: {  	s0 =	simm.s32 $0x12E00;
	v0 =	vld [tilespmem:s28+$0x180]  }
0x1e0: {  	v1 =	vld [tilespmem:s0+$0x180]  }
0x1e1: {  	v2 =	vld [tilespmem:s0+$0xFFFFFE00]  }
0x1e2: {  	v3 =	vld [tilespmem:s28+$0xFFFFFE80]  }
0x1e3: {  	v4 =	vld [tilespmem:s28+$0xFFFFFF00]  }
0x1e4: {  	v6 =	vld [tilespmem:s0+$0xFFFFFF00]  }
0x1e5: {  	v7 =	vld [tilespmem:s28+$0xFFFFFF80]  }
0x1e6: {  	v8 =	vld [tilespmem:s0+$0xFFFFFF80]  }
0x1e7: {  	v9 =	vld [tilespmem:s28+$0x0]  }
0x1e8: {  	v10 =	vld [tilespmem:s0+$0x0]  }
0x1e9: {  	v11 =	vld [tilespmem:s0+$0x80]  }
0x1ea: {  	v60 =	vld [tilespmem:s28+$0xFFFFFF90]  }
0x1eb: {  	v13 =	vld [tilespmem:s28+$0x10]  }
0x1ec: {  	v61 =	vld [tilespmem:s28+$0xFFFFFFA0]  }
0x1ed: {  	v62 =	vld [tilespmem:s28+$0xA0];
	v0 =	vadd.f32 v1, v0  }
0x1ee: {  	v1 =	vld [tilespmem:s0+$0xFFFFFE80]  }
0x1ef: {  	[tilespmem:s28+$0x180] =	vst v0;
	v0 =	vld [tilespmem:s28+$0x190]  }
0x1f0: {  	v5 =	vld [tilespmem:s0+$0x190]  }
0x1f1: {  	v63 =	vld [tilespmem:s28+$0xFFFFFE30];
	v4 =	vadd.f32 v6, v4  }
0x1f2: {  	v6 =	vld [tilespmem:s0+$0x100]  }
0x1f3: {  	[tilespmem:s28+$0xFFFFFF00] =	vst v4;
	v4 =	vadd.f32 v10, v9;
	v10 =	vld [tilespmem:s28+$0xFFFFFE90];
	v1 =	vadd.f32 v1, v3  }
0x1f4: {  	v3 =	vld [tilespmem:s28+$0x100]  }
0x1f5: {  	[tilespmem:s28+$0xFFFFFE80] =	vst v1;
	v0 =	vadd.f32 v5, v0;
	v5 =	vld [tilespmem:s28+$0x80]  }
0x1f6: {  	v1 =	vadd.f32 v8, v7;
	v8 =	vld [tilespmem:s0+$0xFFFFFE90]  }
0x1f7: {  	[tilespmem:s28+$0x190] =	vst v0;
	v0 =	vld [tilespmem:s28+$0x1A0]  }
0x1f8: {  	[tilespmem:s28+$0x0] =	vst v4;
	v12 =	vld [tilespmem:s0+$0x1A0]  }
0x1f9: {  	v9 =	vld [tilespmem:s0+$0x10]  }
0x1fa: {  	v7 =	vld [tilespmem:s28+$0xFFFFFE00]  }
0x1fb: {  	[tilespmem:s28+$0xFFFFFF80] =	vst v1;
	v1 =	vld [tilespmem:s0+$0xFFFFFF10]  }
0x1fc: {  	v4 =	vld [tilespmem:s0+$0xFFFFFF90];
	v8 =	vadd.f32 v8, v10  }
0x1fd: {  	v5 =	vadd.f32 v11, v5;
	v11 =	vld [tilespmem:s28+$0xFFFFFF10];
	v0 =	vadd.f32 v12, v0  }
0x1fe: {  	v10 =	vld [tilespmem:s28+$0x110];
	[tilespmem:s28+$0xFFFFFE90] =	vst v8  }
0x1ff: {  	v8 =	vld [tilespmem:s0+$0xFFFFFEA0];
	[tilespmem:s28+$0x1A0] =	vst v0;
	v0 =	vadd.f32 v2, v7  }
0x200: {  	[tilespmem:s28+$0x80] =	vst v5;
	v7 =	vld [tilespmem:s28+$0x1B0];
	v2 =	vadd.f32 v6, v3  }
0x201: {  	v5 =	vld [tilespmem:s0+$0x1B0];
	[tilespmem:s28+$0xFFFFFE00] =	vst v0  }
0x202: {  	v1 =	vadd.f32 v1, v11;
	[tilespmem:s28+$0x100] =	vst v2;
	v2 =	vld [tilespmem:s28+$0xFFFFFE10]  }
0x203: {  	v3 =	vld [tilespmem:s0+$0xFFFFFE10]  }
0x204: {  	[tilespmem:s28+$0xFFFFFF10] =	vst v1;
	v1 =	vadd.f32 v9, v13;
	v6 =	vld [tilespmem:s0+$0x110]  }
0x205: {  	v4 =	vadd.f32 v4, v60;
	v0 =	vld [tilespmem:s0+$0x90]  }
0x206: {  	v9 =	vld [tilespmem:s0+$0xFFFFFF20];
	[tilespmem:s28+$0x10] =	vst v1  }
0x207: {  	[tilespmem:s28+$0xFFFFFF90] =	vst v4;
	v4 =	vld [tilespmem:s0+$0x20]  }
0x208: {  	v2 =	vadd.f32 v3, v2;
	v3 =	vld [tilespmem:s28+$0x90]  }
0x209: {  	v1 =	vadd.f32 v6, v10;
	v10 =	vld [tilespmem:s28+$0xFFFFFF20]  }
0x20a: {  	[tilespmem:s28+$0xFFFFFE10] =	vst v2;
	v2 =	vld [tilespmem:s28+$0xFFFFFE20]  }
0x20b: {  	v11 =	vld [tilespmem:s0+$0xFFFFFE20]  }
0x20c: {  	v5 =	vadd.f32 v5, v7;
	[tilespmem:s28+$0x110] =	vst v1;
	v1 =	vld [tilespmem:s28+$0xFFFFFEA0]  }
0x20d: {  	v7 =	vld [tilespmem:s28+$0x30]  }
0x20e: {  	[tilespmem:s28+$0x1B0] =	vst v5;
	v5 =	vld [tilespmem:s28+$0xB0]  }
0x20f: {  	v6 =	vld [tilespmem:s0+$0x120]  }
0x210: {  	v0 =	vadd.f32 v0, v3;
	v3 =	vld [tilespmem:s0+$0xFFFFFFA0];
	v2 =	vadd.f32 v11, v2  }
0x211: {  	v1 =	vadd.f32 v8, v1;
	v8 =	vadd.f32 v9, v10;
	v9 =	vld [tilespmem:s28+$0xFFFFFF30]  }
0x212: {  	[tilespmem:s28+$0xFFFFFE20] =	vst v2;
	v2 =	vld [tilespmem:s28+$0x120]  }
0x213: {  	[tilespmem:s28+$0x90] =	vst v0;
	v11 =	vld [tilespmem:s28+$0x20]  }
0x214: {  	v0 =	vld [tilespmem:s0+$0xA0];
	[tilespmem:s28+$0xFFFFFEA0] =	vst v1  }
0x215: {  	[tilespmem:s28+$0xFFFFFF20] =	vst v8;
	v8 =	vld [tilespmem:s28+$0xFFFFFFB0]  }
0x216: {  	v1 =	vadd.f32 v3, v61;
	v14 =	vld [tilespmem:s0+$0xFFFFFEB0]  }
0x217: {  	v10 =	vld [tilespmem:s0+$0xFFFFFE30];
	v6 =	vadd.f32 v6, v2  }
0x218: {  	[tilespmem:s28+$0xFFFFFFA0] =	vst v1;
	v3 =	vadd.f32 v4, v11;
	v4 =	vld [tilespmem:s0+$0xFFFFFF30]  }
0x219: {  	v0 =	vadd.f32 v0, v62;
	[tilespmem:s28+$0x120] =	vst v6;
	v6 =	vld [tilespmem:s28+$0xFFFFFEB0]  }
0x21a: {  	v1 =	vld [tilespmem:s0+$0xFFFFFFB0];
	[tilespmem:s28+$0x20] =	vst v3  }
0x21b: {  	[tilespmem:s28+$0xA0] =	vst v0;
	v2 =	vld [tilespmem:s0+$0x30]  }
0x21c: {  	v3 =	vld [tilespmem:s0+$0xB0];
	v10 =	vadd.f32 v10, v63  }
0x21d: {  	v0 =	vld [tilespmem:s0+$0x130]  }
0x21e: {  	s1 =	simm.s32 $0x0;
	s12 =	simm.s32 $0xCE00;
	[tilespmem:s28+$0xFFFFFE30] =	vst v10;
	v10 =	vadd.f32 v14, v6;
	v6 =	vld [tilespmem:s28+$0x130]  }
.LBB2_10:
0x21f: {  	v11 =	vld [tilespmem:s12+$0x180];
	v4 =	vadd.f32 v4, v9;
	s0 =	sadd.s32 $0x400, s0  }
0x220: {  	s1 =	sadd.s32 $0x8, s1;
	v9 =	vld [tilespmem:s0+$0x180];
	[tilespmem:s28+$0xFFFFFEB0] =	vst v10;
	v1 =	vadd.f32 v1, v8  }
0x221: {  	p0 =	slt.u32 s1, $0xC0;
	v8 =	vld [tilespmem:s0+$0xFFFFFE00];
	[tilespmem:s28+$0xFFFFFF30] =	vst v4;
	v2 =	vadd.f32 v2, v7  }
0x222: {  	v4 =	vld [tilespmem:s12+$0xFFFFFE80];
	[tilespmem:s28+$0xFFFFFFB0] =	vst v1;
	v1 =	vadd.f32 v3, v5  }
0x223: {  	v3 =	vld [tilespmem:s0+$0xFFFFFE80];
	[tilespmem:s28+$0x30] =	vst v2;
	v0 =	vadd.f32 v0, v6  }
0x224: {  	v2 =	vld [tilespmem:s12+$0xFFFFFF00];
	[tilespmem:s28+$0xB0] =	vst v1  }
0x225: {  	v1 =	vld [tilespmem:s0+$0xFFFFFF00];
	v5 =	vadd.f32 v9, v11;
	[tilespmem:s28+$0x130] =	vst v0;
	s28 =	smov.u32 s12  }
0x226: {  	v0 =	vld [tilespmem:s12+$0xFFFFFF80]  }
0x227: {  	[tilespmem:s12+$0x180] =	vst v5;
	v5 =	vld [tilespmem:s12+$0x190]  }
0x228: {  	v3 =	vadd.f32 v3, v4;
	v4 =	vld [tilespmem:s0+$0x190]  }
0x229: {  	v6 =	vld [tilespmem:s0+$0xFFFFFF80]  }
0x22a: {  	[tilespmem:s12+$0xFFFFFE80] =	vst v3;
	v1 =	vadd.f32 v1, v2;
	v2 =	vld [tilespmem:s12+$0x0]  }
0x22b: {  	v3 =	vld [tilespmem:s0+$0x0]  }
0x22c: {  	[tilespmem:s12+$0xFFFFFF00] =	vst v1;
	v1 =	vld [tilespmem:s12+$0x80]  }
0x22d: {  	v7 =	vld [tilespmem:s0+$0x80];
	v4 =	vadd.f32 v4, v5  }
0x22e: {  	v0 =	vadd.f32 v6, v0;
	v5 =	vld [tilespmem:s12+$0x100]  }
0x22f: {  	[tilespmem:s12+$0x190] =	vst v4;
	v4 =	vld [tilespmem:s12+$0x1A0]  }
0x230: {  	[tilespmem:s12+$0xFFFFFF80] =	vst v0;
	v0 =	vadd.f32 v3, v2;
	v2 =	vld [tilespmem:s0+$0x1A0]  }
0x231: {  	v3 =	vld [tilespmem:s0+$0x100]  }
0x232: {  	v6 =	vld [tilespmem:s12+$0xFFFFFE00];
	[tilespmem:s12+$0x0] =	vst v0;
	v0 =	vadd.f32 v7, v1  }
0x233: {  	v1 =	vld [tilespmem:s0+$0xFFFFFE90]  }
0x234: {  	v7 =	vld [tilespmem:s0+$0xFFFFFF10];
	[tilespmem:s12+$0x80] =	vst v0  }
0x235: {  	v0 =	vld [tilespmem:s0+$0xFFFFFF90];
	v2 =	vadd.f32 v2, v4  }
0x236: {  	v4 =	vld [tilespmem:s0+$0x10];
	v3 =	vadd.f32 v3, v5  }
0x237: {  	v5 =	vadd.f32 v8, v6;
	[tilespmem:s12+$0x1A0] =	vst v2;
	v2 =	vld [tilespmem:s12+$0x1B0]  }
0x238: {  	[tilespmem:s12+$0x100] =	vst v3;
	v3 =	vld [tilespmem:s0+$0x1B0]  }
0x239: {  	[tilespmem:s12+$0xFFFFFE00] =	vst v5;
	v5 =	vld [tilespmem:s0+$0x90]  }
0x23a: {  	v6 =	vld [tilespmem:s0+$0xFFFFFE10]  }
0x23b: {  	v8 =	vld [tilespmem:s0+$0x110]  }
0x23c: {  	v9 =	vld [tilespmem:s12+$0xFFFFFE10]  }
0x23d: {  	v10 =	vld [tilespmem:s12+$0xFFFFFE90];
	v2 =	vadd.f32 v3, v2  }
0x23e: {  	v3 =	vld [tilespmem:s12+$0xFFFFFF10]  }
0x23f: {  	v11 =	vld [tilespmem:s12+$0xFFFFFF90];
	[tilespmem:s12+$0x1B0] =	vst v2  }
0x240: {  	v2 =	vld [tilespmem:s12+$0x10]  }
0x241: {  	v6 =	vadd.f32 v6, v9;
	v9 =	vld [tilespmem:s12+$0x90]  }
0x242: {  	v1 =	vadd.f32 v1, v10;
	v10 =	vld [tilespmem:s12+$0x110]  }
0x243: {  	[tilespmem:s12+$0xFFFFFE10] =	vst v6;
	v6 =	vld [tilespmem:s12+$0xFFFFFE20];
	v3 =	vadd.f32 v7, v3  }
0x244: {  	v7 =	vld [tilespmem:s0+$0xFFFFFE20];
	[tilespmem:s12+$0xFFFFFE90] =	vst v1;
	v0 =	vadd.f32 v0, v11  }
0x245: {  	v1 =	vld [tilespmem:s0+$0xFFFFFEA0];
	[tilespmem:s12+$0xFFFFFF10] =	vst v3;
	v2 =	vadd.f32 v4, v2  }
0x246: {  	v3 =	vld [tilespmem:s0+$0xFFFFFF20];
	[tilespmem:s12+$0xFFFFFF90] =	vst v0;
	v0 =	vadd.f32 v5, v9  }
0x247: {  	v4 =	vld [tilespmem:s0+$0xFFFFFFA0];
	[tilespmem:s12+$0x10] =	vst v2;
	v2 =	vadd.f32 v8, v10  }
0x248: {  	v5 =	vld [tilespmem:s0+$0x20];
	[tilespmem:s12+$0x90] =	vst v0  }
0x249: {  	v0 =	vadd.f32 v7, v6;
	v6 =	vld [tilespmem:s0+$0xA0];
	[tilespmem:s12+$0x110] =	vst v2  }
0x24a: {  	v2 =	vld [tilespmem:s0+$0x120]  }
0x24b: {  	[tilespmem:s12+$0xFFFFFE20] =	vst v0;
	v0 =	vld [tilespmem:s12+$0xFFFFFEA0]  }
0x24c: {  	v7 =	vld [tilespmem:s12+$0xFFFFFF20]  }
0x24d: {  	v8 =	vld [tilespmem:s12+$0xFFFFFFA0]  }
0x24e: {  	v9 =	vld [tilespmem:s12+$0x20]  }
0x24f: {  	v10 =	vld [tilespmem:s12+$0xA0]  }
0x250: {  	v0 =	vadd.f32 v1, v0;
	v11 =	vld [tilespmem:s12+$0x120]  }
0x251: {  	v12 =	vld [tilespmem:s0+$0xFFFFFE30];
	v1 =	vadd.f32 v3, v7  }
0x252: {  	v3 =	vld [tilespmem:s12+$0xFFFFFE30];
	[tilespmem:s12+$0xFFFFFEA0] =	vst v0;
	v0 =	vadd.f32 v4, v8  }
0x253: {  	v13 =	vld [tilespmem:s0+$0xFFFFFEB0];
	[tilespmem:s12+$0xFFFFFF20] =	vst v1;
	v5 =	vadd.f32 v5, v9  }
0x254: {  	v4 =	vld [tilespmem:s0+$0xFFFFFF30];
	[tilespmem:s12+$0xFFFFFFA0] =	vst v0;
	v0 =	vadd.f32 v6, v10  }
0x255: {  	v1 =	vld [tilespmem:s0+$0xFFFFFFB0];
	[tilespmem:s12+$0x20] =	vst v5;
	v5 =	vadd.f32 v2, v11  }
0x256: {  	v2 =	vld [tilespmem:s0+$0x30];
	[tilespmem:s12+$0xA0] =	vst v0  }
0x257: {  	v6 =	vadd.f32 v12, v3;
	v3 =	vld [tilespmem:s0+$0xB0];
	[tilespmem:s12+$0x120] =	vst v5  }
0x258: {  	v0 =	vld [tilespmem:s0+$0x130]  }
0x259: {  	[tilespmem:s12+$0xFFFFFE30] =	vst v6;
	v6 =	vld [tilespmem:s12+$0xFFFFFEB0]  }
.Ltmp4:
0x25a: {  	v9 =	vld [tilespmem:s12+$0xFFFFFF30];
	(pc) =	sbr.rel @p0 .LBB2_10-.Ltmp4, $4  }
0x25b: {  	v8 =	vld [tilespmem:s12+$0xFFFFFFB0]  }
0x25c: {  	v7 =	vld [tilespmem:s12+$0x30]  }
0x25d: {  	v5 =	vld [tilespmem:s12+$0xB0]  }
0x25e: {  	s12 =	sadd.s32 $0x400, s12;
	v10 =	vadd.f32 v13, v6;
	v6 =	vld [tilespmem:s28+$0x130]  }
0x25f: {  	v4 =	vadd.f32 v4, v9  }
0x260: {  	[tilespmem:s28+$0xFFFFFEB0] =	vst v10;
	v1 =	vadd.f32 v1, v8  }
0x261: {  	[tilespmem:s28+$0xFFFFFF30] =	vst v4;
	v2 =	vadd.f32 v2, v7  }
0x262: {  	[tilespmem:s28+$0xFFFFFFB0] =	vst v1;
	v63 =	vadd.f32 v3, v5  }
0x263: {  	s26 =	sadd.s32 $0x1, s26;
	[tilespmem:s28+$0x30] =	vst v2;
	v0 =	vadd.f32 v0, v6  }
0x264: {  	p0 =	sne.s32 s26, s11;
	[tilespmem:s28+$0xB0] =	vst v63  }
.Ltmp5:
0x265: {  	[tilespmem:s28+$0x130] =	vst v0;
	(pc) =	sbr.rel @p0 .LBB2_1-.Ltmp5, $4  }
0x266: {  	[hbm4b:s10+s2] =	stream.linear.scatter [tilespmem:s19], [sflag:$0x4], $0x6400, $0x38;
	[tilespmem:$0x19000] =	vst v63  }
0x267: {  	_ =	swait.ge [sflag:s25], $0x6400  }
0x268: {  	[sflag:s25] =	ssyncset.done $0x0  }
0x269: {  	[sflag:s25] =	ssyncadd.s32 $0xFFFF9C00  }
0x26a: {  	_ =	sfence.sel $0x180000  }
0x26b: {  	[bflag:$0x0] =	sbarrier.arrive $0xFFFF  }
0x26c: {  	_ =	strace $0x90000047  }
0x26d: {  	s0 =	stileid.u32;
	[bflag:$0x2] =	sbarrier.arrive $0xFFFF  }
0x26e: {  	p0 =	sne.s32 s0, $0x0;
	s0 =	rddreg [dreg:$0x2]  }
0x26f: {  	s0 =	sadd.s32 @!p0 $0x100000, s0  }
0x270: {  	[sflag:s0] =	ssyncadd.tile.s32 @!p0 $0x1;
	_ =	shalt  }
.Lfunc_end2:
_tile_overlayer_lowered:
.L_overlay_start_2:
0x271: {  	(tag) =	ssettag $0x2  }
0x272: {  	s0 =	rddreg [dreg:$0x0];
	s2 =	stileid.u32  }
0x273: {  	s1 =	rddreg [dreg:$0x1];
	p0 =	sne.s32 s2, $0x0  }
0x274: {  	s3 =	rddreg [dreg:$0x2];
	[bflag:$0x3] =	sbarrier.arrive $0xFFFF;
	s2 =	simm.s32 @!p0 $0x1C05  }
0x275: {  	[timem:s3], [sflag:s2] =	dma.local @!p0 [hbm:s0], s1  }
0x276: {  	s0 =	simm.s32 @!p0 $0x5  }
0x277: {  	_ =	swait.ge @!p0 [sflag:s0], s1  }
0x278: {  	s1 =	ssub.s32 @!p0 $0x0, s1;
	[sflag:s0] =	ssyncset.done @!p0 $0x0  }
0x279: {  	[sflag:s0] =	ssyncadd.s32 @!p0 s1  }
0x27a: {  	[bflag:$0x3] =	sbarrier.arrive $0xFFFF  }
0x27b: {  	_ =	shalt  }

// kernel: sparse-core-data-format-call.cloned.1.call-start
scs
called_computation_lowered:
.L_overlay_start_0:
0x0: {  	s2 =	sld [smem:$0x3FD9]  }
0x1: {  	s3 =	sld [smem:$0x3FFE];
	_ =	sdelay $0x1  }
0x2: {  	s1 =	srdreg.scid  }
0x3: {  	s0 =	sand.u32 $0x1, s1  }
0x4: {  	s18 =	sshll.u32 s0, $0xA;
	s2 =	sadd.s32 s3, s2  }
0x5: {  	s2 =	sadd.s32 s2, s18  }
0x6: {  	[smem:$0x3FC5] =	sst s2  }
0x7: {  	_ = 	snop  }
0x8: {  	s2 =	sld [smem:$0x3FD0];
	(tm) =	ssettm $0x1  }
0x9: {  	s19 =	sld [smem:$0x3FFB];
	_ =	sdelay $0x3  }
0xa: {  	_ =	strace s19  }
0xb: {  	s3 =	sld [smem:$0x3FFC];
	_ =	sdelay $0x3  }
0xc: {  	_ =	strace s3  }
0xd: {  	s3 =	sld [smem:$0x3FFD];
	_ =	sdelay $0x3  }
0xe: {  	_ =	strace s3  }
0xf: {  	_ =	strace $0x8FFFFFFF  }
0x10: {  	s20 =	sld [smem:$0x3FDB];
	_ =	sdelay $0x1  }
0x11: {  	s4 =	simm.s32 $_scs_section_size  }
0x12: {  	s5 =	simm.s32 $_size__tile_overlayer_lowered;
	s6 =	simm.s32 $_tile_overlayer_lowered  }
0x13: {  	s23 =	simm.s32 $0x1BFF;
	s22 =	sshll.u32 s6, $0x1;
	s3 =	sadd.s32 s4, s20  }
0x14: {  	s7 =	simm.s32 $0x0;
	s21 =	sshll.u32 s5, $0x1;
	s5 =	sadd.s32 s22, s3  }
0x15: {  	[timem:s7], [sflag:s23] =	dma.local [hbm:s5], s21  }
0x16: {  	_ =	swait.ge [sflag:s23], s21  }
0x17: {  	s4 =	ssub.s32 $0x0, s21;
	[sflag:s23] =	ssyncset.done $0x0  }
0x18: {  	[sflag:s23] =	ssyncadd.s32 s4;
	_ =	sdelay $0x1  }
0x19: {  	s24 =	simm.s32 $0x1B8B  }
0x1a: {  	_ =	swait.ge [sflag:s24], $0x1  }
0x1b: {  	[sflag:s24] =	ssyncset.done $0x0  }
0x1c: {  	s26 =	simm.s32 $0x1B8E;
	s25 =	sld [smem:$0x3FFE];
	[sflag:s24] =	ssyncadd.s32 $0xFFFFFFFF  }
0x1d: {  	s27 =	simm.s32 $execute0_lowered;
	[smem:$0x3FD2] =	sst s26  }
0x1e: {  	s5 =	sshll.u32 s27, $0x1;
	_ =	strace $0x80000049;
	[dreg:$0x1] =	wrdreg $0xFFFFFFFF  }
0x1f: {  	s28 =	simm.s32 $_size_execute0_lowered;
	s3 =	sadd.s32 s3, s5;
	[dreg:$0x0] =	wrdreg $0x0  }
0x20: {  	s5 =	sshll.u32 s28, $0x1;
	[dreg:$0x2] =	wrdreg s3  }
0x21: {  	[dreg:$0x3] =	wrdreg s5  }
0x22: {  	[dreg:$0x4] =	wrdreg $0xC0  }
0x23: {  	_ =	task [dreg:s7], $0x5FFFF  }
0x24: {  	[dreg:$0x1] =	wrdreg $0xFFFFFFFF  }
0x25: {  	[dreg:$0x0] =	wrdreg $0x60  }
0x26: {  	[dreg:$0x2] =	wrdreg s25  }
0x27: {  	[dreg:$0x3] =	wrdreg s2  }
0x28: {  	[dreg:$0x4] =	wrdreg $0x9  }
0x29: {  	_ =	task.clear_ibuf [dreg:s7], $0x5FFFF;
	_ =	strace $0x90000049  }
0x2a: {  	s29 =	simm.s32 $0x9;
	_ =	strace $0x8000004B  }
0x2b: {  	_ =	swait.ge [sflag:s29], $0x1  }
0x2c: {  	[sflag:s29] =	ssyncadd.s32 $0xFFFFFFFF  }
0x2d: {  	_ =	strace $0x9000004B  }
0x2e: {  	_ =	sfence  }
0x2f: {  	s30 =	sld [smem:$0x0];
	_ =	sdelay $0x2  }
0x30: {  	s31 =	sshll.u32 s1, $0xD;
	s1 =	sshrl.u32 s1, $0x2  }
0x31: {  	s3 =	sand.u32 $0x4000, s31;
	s1 =	sadd.s32 s1, s30  }
0x32: {  	s0 =	sor.u32 s3, s0;
	s1 =	sshll.u32 s1, $0x11  }
0x33: {  	s0 =	sor.u32 s1, s0  }
0x34: {  	s0 =	sadd.s32 $0x8F2B, s0  }
0x35: {  	[sflag:s0] =	ssyncadd.remote.s32 $0x1  }
0x36: {  	_ =	sfence.sel $0xFFFF  }
0x37: {  	[dreg:$0x0] =	wrdreg $0xFFFFFFFF;
	(pc) =	sbr.abs _section_cstart, $3  }
0x38: {  	[dreg:$0x1] =	wrdreg $0xFFFFFFFF  }
0x39: {  	_ =	task.clear_ibuf [dreg:s7], $0x2FFFF;
	_ =	strace $0x9FFFFFFF  }
0x3a: {  	(tm) =	ssettm $0x7FFFFFFF  }
0x3b: {  	_ =	shalt  }
tec
execute0_lowered:
.L_overlay_start_1:
0x0: {  	(tag) =	ssettag $0x1  }
0x1: {  	s0 =	srdreg.scid  }
0x2: {  	s1 =	sshll.u32 s0, $0x4  }
0x3: {  	s0 =	stileid.u32;
	s1 =	sand.u32 $0x10, s1  }
0x4: {  	s1 =	sor.u32 s0, s1  }
0x5: {  	s6 =	rddreg [dreg:$0x0];
	s4 =	simm.s32 $0x1;
	s2 =	sshll.u32 s1, $0x7  }
0x6: {  	s7 =	simm.s32 $0x2;
	s12 =	simm.s32 $0x0;
	s1 =	ssub.s32 $0x1000, s2  }
0x7: {  	s8 =	simm.s32 $0x8000;
	s13 =	simm.s32 $0x0;
	s3 =	sand.u32 $0xF80, s1  }
0x8: {  	s9 =	simm.s32 $0x0;
	s5 =	sshrl.u32 s1, $0xC;
	p0 =	sne.s32 s3, $0x0  }
.Ltmp0:
0x9: {  	s1 =	rddreg [dreg:$0x2];
	s4 =	simm.s32 @!p0 $0x0;
	(pc) =	sbr.rel .LBB1_1-.Ltmp0, $4  }
0xa: {  	s11 =	simm.s32 $0x0;
	s3 =	rddreg [dreg:$0x1];
	s5 =	sadd.s32 s4, s5  }
0xb: {  	_ =	strace $0x8000004A;
	s4 =	simm.s32 $0x1;
	s5 =	smul.u32 $0xC8, s5  }
0xc: {  	s6 =	sadd.s32 $0xC00, s6;
	s10 =	smov.u32 s2;
	[sflag:s4] =	ssyncpa.u1 $0x0  }
0xd: {  	p0 =	por $0x0, $0x0;
	[sflag:s7] =	ssyncpa.u1 $0x0;
	s7 =	sor.u32 $0x1, s5  }
.LBB1_4:
0xe: {  	s16 =	sshll.u32 s13, $0x3;
	s17 =	sand.u32 $0x78, s13  }
0xf: {  	s30 =	sand.u32 $0x7E00, s13;
	s12 =	sshll.u32 s12, $0xF;
	s16 =	sand.u32 $0xC00, s16  }
0x10: {  	[tilespmem:s15+$0x810 ss:$0x81] =	vst.msk $0xffff, v2;
	s31 =	sand.u32 $0x7, s13;
	s16 =	sor.u32 s17, s16;
	s17 =	sadd.s32 s3, s30  }
0x11: {  	[tilespmem:s15+$0x1020 ss:$0x81] =	vst.msk $0xffff, v0;
	s13 =	sshll.u32 s31, $0x12;
	s12 =	sadd.s32 s12, s17;
	s16 =	sshrl.u32 s16, $0x3  }
0x12: {  	[tilespmem:s15+$0x0 ss:$0x81] =	vst.msk $0xffff, v1;
	s13 =	sor.u32 $0x400, s13;
	s12 =	sadd.s32 s16, s12  }
0x13: {  	[hbm4b:s12+s13] =	stream.strided.scatter [tilespmem:s14], [sflag:$0x2], $0x2000, s8, s13, $0x20;
	[tilespmem:$0x8080] =	vst v63  }
.LBB1_5:
0x14: {  	s14 =	sadd.s32 $0x1, s9  }
0x15: {  	s12 =	sadd.s32 $0x1000, s10;
	s16 =	smov.u32 s10;
	p2 =	sgt.s32 s14, $0xC7  }
0x16: {  	s16 =	smov.u32 @p2 s12  }
0x17: {  	s14 =	simm.s32 @p2 $0x0;
	p2 =	sgt.s32 s16, $0xFFF  }
0x18: {  	s16 =	smov.u32 @p2 s2;
	p2 =	sne.s32 s11, s7  }
.Ltmp1:
0x19: {  	p1 =	slt.u32 s11, $0x2;
	(pc) =	sbr.rel @!p2 .LBB1_6-.Ltmp1, $4  }
0x1a: {  	s15 =	simm.s32 @!p1 $0x2  }
0x1b: {  	s13 =	smov.u32 s10;
	p0 =	por !p0, !p0;
	_ =	swait.ge @!p1 [sflag:s15], $0x2000  }
0x1c: {  	s12 =	smov.u32 s9;
	[sflag:s15] =	ssyncset.done @!p1 $0x0;
	s9 =	smov.u32 s14  }
0x1d: {  	s11 =	sadd.s32 $0x1, s11;
	[sflag:s15] =	ssyncadd.s32 @!p1 $0xFFFFE000;
	s10 =	smov.u32 s16  }
.LBB1_1:
0x1e: {  	p1 =	sge.u32 s11, s5  }
0x1f: {  	s14 =	sand.u32 @!p1 $0x1FFFFFF, s9  }
0x20: {  	s15 =	smulhi.u32 @!p1 $0x147AE15, s14;
	_ =	sdelay $0x1  }
0x21: {  	s15 =	smul.u32 @!p1 $0xC8, s15  }
0x22: {  	s16 =	sxor.u32 @!p1 $0xFFFFFFFF, s11;
	s17 =	smul.u32 @!p1 $0xC80, s10  }
0x23: {  	s31 =	sadd.s32 $0xFFFFFFFF, s11;
	s16 =	sshll.u32 @!p1 s16, $0xD;
	s14 =	ssub.s32 @!p1 s14, s15  }
0x24: {  	s15 =	sand.u32 @!p1 $0x2000, s16;
	s16 =	sadd.s32 @!p1 s6, s17;
	s14 =	sshll.u32 @!p1 s14, $0x4  }
0x25: {  	s17 =	simm.s32 @!p1 $0x6400;
	s14 =	sadd.s32 @!p1 s14, s16;
	s16 =	simm.s32 @!p1 $0x40  }
0x26: {  	[tilespmem:s15], [sflag:$0x1] =	stream.strided.gather @!p1 [hbm4b:s14+s16], $0x2000, s17, s16, $0x38;
	[tilespmem:$0x8080] =	vst v63  }
0x27: {  	p1 =	sge.u32 s31, s5  }
.Ltmp2:
0x28: {  	_ = 	snop;
	(pc) =	sbr.rel @p1 .LBB1_5-.Ltmp2, $1  }
0x29: {  	_ =	sdelay $0x3  }
0x2a: {  	s14 =	simm.s32 $0x1  }
0x2b: {  	_ =	swait.ge [sflag:s4], $0x2000;
	s14 =	simm.s32 @!p0 $0x0  }
0x2c: {  	[sflag:s4] =	ssyncset.done $0x0;
	s15 =	sshll.u32 s14, $0xD  }
0x2d: {  	[sflag:s4] =	ssyncadd.s32 $0xFFFFE000;
	s18 =	sor.u32 $0x20, s15  }
0x2e: {  	s14 =	smul.u32 $0x8100, s14;
	v3 =	vld [tilespmem:s18+$0x10]  }
0x2f: {  	s30 =	sand.u32 $0x1, s11;
	v2 =	vld [tilespmem:s18+$0xFFFFFFF0]  }
0x30: {  	s15 =	smul.u32 $0x8100, s30;
	s14 =	sshrl.u32 s14, $0x2;
	v0 =	vld [tilespmem:s18+$0x0]  }
0x31: {  	v1 =	vld [tilespmem:s18+$0xFFFFFFE0];
	s16 =	sor.u32 $0x4000, s14  }
0x32: {  	s31 =	sshrl.u32 s15, $0x2;
	s15 =	sadd.s32 $0x0, s16  }
0x33: {  	s17 =	simm.s32 $0x4;
	s18 =	sadd.s32 $0x40, s18;
	s14 =	sor.u32 $0x4000, s31;
	[tilespmem:s15+$0x1830 ss:$0x81] =	vst.msk $0xffff, v3  }
.LBB1_3:
0x34: {  	v3 =	vld [tilespmem:s18+$0x10];
	p1 =	sne.s32 s17, $0x1FC;
	[tilespmem:s15+$0x810 ss:$0x81] =	vst.msk $0xffff, v2;
	s19 =	smov.u32 s17;
	s17 =	sadd.s32 $0x4, s17  }
.Ltmp3:
0x35: {  	v2 =	vld [tilespmem:s18+$0xFFFFFFF0];
	[tilespmem:s15+$0x1020 ss:$0x81] =	vst.msk $0xffff, v0;
	(pc) =	sbr.rel @p1 .LBB1_3-.Ltmp3, $4  }
0x36: {  	v0 =	vld [tilespmem:s18+$0x0];
	[tilespmem:s15+$0x0 ss:$0x81] =	vst.msk $0xffff, v1  }
0x37: {  	s15 =	sshra.s32 s19, $0x2;
	v1 =	vld [tilespmem:s18+$0xFFFFFFE0]  }
0x38: {  	s15 =	sadd.s32 s15, s16  }
0x39: {  	s18 =	sadd.s32 $0x40, s18;
	[tilespmem:s15+$0x1830 ss:$0x81] =	vst.msk $0xffff, v3  }
.Ltmp4:
0x3a: {  	_ = 	snop;
	(pc) =	sbr.rel .LBB1_4-.Ltmp4, $1  }
0x3b: {  	_ =	sdelay $0x3  }
.LBB1_6:
0x3c: {  	_ =	sfence.sel $0x180000  }
0x3d: {  	s2 =	simm.s32 $0x1;
	[bflag:$0x0] =	sbarrier.arrive $0xFFFF  }
0x3e: {  	s31 =	simm.s32 $0x2;
	[sflag:s2] =	ssyncpa.u1 $0x1  }
0x3f: {  	[sflag:s31] =	ssyncpa.u1 $0x1  }
0x40: {  	p0 =	sne.s32 s0, $0x0;
	_ =	strace $0x9000004A  }
0x41: {  	s0 =	sadd.s32 @!p0 $0x100000, s1;
	[bflag:$0x2] =	sbarrier.arrive $0xFFFF  }
0x42: {  	[sflag:s0] =	ssyncadd.tile.s32 @!p0 $0x1;
	_ =	shalt  }
.Lfunc_end1:
_tile_overlayer_lowered:
.L_overlay_start_2:
0x43: {  	(tag) =	ssettag $0x2  }
0x44: {  	s0 =	rddreg [dreg:$0x0];
	s2 =	stileid.u32  }
0x45: {  	s1 =	rddreg [dreg:$0x1];
	p0 =	sne.s32 s2, $0x0  }
0x46: {  	s3 =	rddreg [dreg:$0x2];
	[bflag:$0x3] =	sbarrier.arrive $0xFFFF;
	s2 =	simm.s32 @!p0 $0x1C01  }
0x47: {  	[timem:s3], [sflag:s2] =	dma.local @!p0 [hbm:s0], s1  }
0x48: {  	s0 =	simm.s32 @!p0 $0x1  }
0x49: {  	_ =	swait.ge @!p0 [sflag:s0], s1  }
0x4a: {  	s1 =	ssub.s32 @!p0 $0x0, s1;
	[sflag:s0] =	ssyncset.done @!p0 $0x0  }
0x4b: {  	[sflag:s0] =	ssyncadd.s32 @!p0 s1  }
0x4c: {  	[bflag:$0x3] =	sbarrier.arrive $0xFFFF  }
0x4d: {  	_ =	shalt  }

</sc_bundles>
